<compile_context>
chip_gen: v7x
topology: tpu7x:2x2x1
jax: 0.10.2.dev20260603
libtpu: 0.0.44.dev20260713+nightly
codegen_flags: <defaults>
</compile_context>

<pallas_src>
import functools

import jax
import jax.numpy as jnp
from jax import lax
from jax.experimental import pallas as pl
from jax.experimental.pallas import tpu as pltpu
from jax.experimental.pallas import tpu_sc as plsc

N = 10000
E = 320000
DIN = 128
DHID = 128
DOUT = 64

NC = 2
NS = 16
NW = NC * NS
NPAD = 10240
RPS = NPAD // NS
CHUNK = 128
CPW0 = 103
CPW1 = 55
CPWM = max(CPW0, CPW1)
EPAD = NS * (CPW0 + CPW1) * CHUNK
D1 = DHID + 8
D2 = DOUT

_MESH = plsc.VectorSubcoreMesh(core_axis_name="c", subcore_axis_name="s")


def _make_sc_agg(D):

    @functools.partial(
        pl.kernel,
        out_type=jax.ShapeDtypeStruct((NC * NPAD, D), jnp.float32),
        mesh=_MESH,
        compiler_params=pltpu.CompilerParams(use_tc_tiling_on_sc=False),
        scratch_types=[
            pltpu.VMEM((CPWM, CHUNK), jnp.int32),
            pltpu.VMEM((CPWM, CHUNK), jnp.int32),
            pltpu.VMEM((CHUNK, D), jnp.float32),
            pltpu.VMEM_SHARED((NPAD, D), jnp.float32),
            pltpu.SemaphoreType.DMA,
        ],
    )
    def sc_agg(q_hbm, src_hbm, dst_hbm, zeros_hbm, out_hbm,
               src_v, dst_v, rows_v, acc_s, sem):
        c = lax.axis_index("c")
        s = lax.axis_index("s")
        wid = s * NC + c

        pltpu.sync_copy(src_hbm.at[wid], src_v)
        pltpu.sync_copy(dst_hbm.at[wid], dst_v)

        pltpu.sync_copy(zeros_hbm, rows_v)

        def zbody(k, carry):
            pltpu.sync_copy(rows_v, acc_s.at[pl.ds(s * RPS + k * CHUNK, CHUNK)])
            return carry

        lax.fori_loop(0, RPS // CHUNK, zbody, 0)
        plsc.subcore_barrier()

        def body(j, carry):
            pltpu.async_copy(q_hbm.at[src_v.at[j]], rows_v, sem).wait()
            pltpu.sync_copy(rows_v, acc_s.at[dst_v.at[j]], add=True)
            return carry

        cpw_c = jnp.where(c == 0, CPW0, CPW1)
        lax.fori_loop(0, cpw_c, body, 0)
        plsc.subcore_barrier()

        def obody(k, carry):
            base = s * RPS + k * CHUNK
            pltpu.sync_copy(acc_s.at[pl.ds(base, CHUNK)], rows_v)
            pltpu.sync_copy(rows_v, out_hbm.at[pl.ds(c * NPAD + base, CHUNK)])
            return carry

        lax.fori_loop(0, RPS // CHUNK, obody, 0)

    return sc_agg


_sc_agg_d1 = _make_sc_agg(D1)
_sc_agg_d2 = _make_sc_agg(D2)

R = 1024
G = NPAD // R


def _tc_stage1(xp, Wl1, Wr1, b1):
    def body(x_ref, wl_ref, wr_ref, b_ref, qext_ref, r_ref):
        xb = x_ref[...]
        q = jnp.dot(xb, wl_ref[...], preferred_element_type=jnp.float32)
        col = lax.broadcasted_iota(jnp.int32, (R, D1 - DHID), 1)
        ext = jnp.where(col == 0, 1.0, 0.0).astype(jnp.float32)
        qext_ref[...] = jnp.concatenate([q, ext], axis=1)
        r_ref[...] = (
            jnp.dot(xb, wr_ref[...], preferred_element_type=jnp.float32)
            + b_ref[...]
        )

    return pl.pallas_call(
        body,
        grid=(G,),
        in_specs=[
            pl.BlockSpec((R, DIN), lambda i: (i, 0)),
            pl.BlockSpec((DIN, DHID), lambda i: (0, 0)),
            pl.BlockSpec((DIN, DHID), lambda i: (0, 0)),
            pl.BlockSpec((1, DHID), lambda i: (0, 0)),
        ],
        out_specs=[
            pl.BlockSpec((R, D1), lambda i: (i, 0)),
            pl.BlockSpec((R, DHID), lambda i: (i, 0)),
        ],
        out_shape=[
            jax.ShapeDtypeStruct((NPAD, D1), jnp.float32),
            jax.ShapeDtypeStruct((NPAD, DHID), jnp.float32),
        ],
    )(xp, Wl1, Wr1, b1)


def _tc_stage2(agg1, r1, Wl2, Wr2, b2):
    def body(a0_ref, a1_ref, r1_ref, wl_ref, wr_ref, b_ref,
             q2_ref, r2_ref, inv_ref):
        a = a0_ref[...] + a1_ref[...]
        cnt = a[:, DHID:DHID + 1]
        inv = 1.0 / jnp.maximum(cnt, 1.0)
        h = jnp.maximum(a[:, :DHID] * inv + r1_ref[...], 0.0)
        q2_ref[...] = jnp.dot(h, wl_ref[...], preferred_element_type=jnp.float32)
        r2_ref[...] = (
            jnp.dot(h, wr_ref[...], preferred_element_type=jnp.float32)
            + b_ref[...]
        )
        inv_ref[...] = jnp.broadcast_to(inv, (R, DHID))

    return pl.pallas_call(
        body,
        grid=(G,),
        in_specs=[
            pl.BlockSpec((R, D1), lambda i: (i, 0)),
            pl.BlockSpec((R, D1), lambda i: (i + G, 0)),
            pl.BlockSpec((R, DHID), lambda i: (i, 0)),
            pl.BlockSpec((DHID, DOUT), lambda i: (0, 0)),
            pl.BlockSpec((DHID, DOUT), lambda i: (0, 0)),
            pl.BlockSpec((1, DOUT), lambda i: (0, 0)),
        ],
        out_specs=[
            pl.BlockSpec((R, DOUT), lambda i: (i, 0)),
            pl.BlockSpec((R, DOUT), lambda i: (i, 0)),
            pl.BlockSpec((R, DHID), lambda i: (i, 0)),
        ],
        out_shape=[
            jax.ShapeDtypeStruct((NPAD, DOUT), jnp.float32),
            jax.ShapeDtypeStruct((NPAD, DOUT), jnp.float32),
            jax.ShapeDtypeStruct((NPAD, DHID), jnp.float32),
        ],
    )(agg1, agg1, r1, Wl2, Wr2, b2)


def _tc_stage3(agg2, inv, r2):
    def body(a0_ref, a1_ref, inv_ref, r2_ref, z_ref):
        agg = a0_ref[...] + a1_ref[...]
        z_ref[...] = agg * inv_ref[:, 0:1] + r2_ref[...]

    return pl.pallas_call(
        body,
        grid=(G,),
        in_specs=[
            pl.BlockSpec((R, DOUT), lambda i: (i, 0)),
            pl.BlockSpec((R, DOUT), lambda i: (i + G, 0)),
            pl.BlockSpec((R, DHID), lambda i: (i, 0)),
            pl.BlockSpec((R, DOUT), lambda i: (i, 0)),
        ],
        out_specs=pl.BlockSpec((R, DOUT), lambda i: (i, 0)),
        out_shape=jax.ShapeDtypeStruct((NPAD, DOUT), jnp.float32),
    )(agg2, agg2, inv, r2)


def kernel(x, edge_index, Wl1, Wr1, b1, Wl2, Wr2, b2):
    src = edge_index[0].astype(jnp.int32)
    dst = edge_index[1].astype(jnp.int32)
    ea = NS * CPW0 * CHUNK
    srcp = jnp.concatenate([src, jnp.zeros((EPAD - E,), jnp.int32)])
    dstp = jnp.concatenate([dst, jnp.full((EPAD - E,), N, jnp.int32)])

    def _split(flat, fill):
        a = flat[:ea].reshape(NS, CPW0, CHUNK)
        if CPW0 < CPWM:
            a = jnp.concatenate(
                [a, jnp.full((NS, CPWM - CPW0, CHUNK), fill, jnp.int32)],
                axis=1)
        b = flat[ea:].reshape(NS, CPW1, CHUNK)
        if CPW1 < CPWM:
            b = jnp.concatenate(
                [b, jnp.full((NS, CPWM - CPW1, CHUNK), fill, jnp.int32)],
                axis=1)
        return jnp.stack([a, b], axis=1).reshape(NW, CPWM, CHUNK)

    src3 = _split(srcp, 0)
    dst3 = _split(dstp, N)
    xp = jnp.zeros((NPAD, DIN), jnp.float32).at[:N].set(x)
    zeros1 = jnp.zeros((CHUNK, D1), jnp.float32)
    zeros2 = jnp.zeros((CHUNK, D2), jnp.float32)

    qext, r1 = _tc_stage1(xp, Wl1, Wr1, b1.reshape(1, DHID))
    agg1 = _sc_agg_d1(qext, src3, dst3, zeros1)
    q2, r2, inv = _tc_stage2(agg1, r1, Wl2, Wr2, b2.reshape(1, DOUT))
    agg2 = _sc_agg_d2(q2, src3, dst3, zeros2)
    z = _tc_stage3(agg2, inv, r2)
    return z[:N]

# --- scband reference (transcript-rebuilt; emitter-appended) ---
"""Pipeline reference for scband-graph-sagemodel-28106265985419 (READ-ONLY COPY).

The authoritative reference and input builder live on the scoring server;
editing this copy changes nothing except your own understanding.
"""

import jax, jax.numpy as jnp
import numpy as np

N_NODES = 10000
N_EDGES = 320000
D_IN = 128
D_HID = 128
D_OUT = 64


def setup_inputs(seed: int = 0) -> dict:
    key = jax.random.key(seed)
    k1, k2, k3, k4, k5, k6, k7, k8 = jax.random.split(key, 8)
    x = jax.random.normal(k1, (N_NODES, D_IN), dtype=jnp.float32)
    edge_index = jax.random.randint(k2, (2, N_EDGES), 0, N_NODES, dtype=jnp.int64)
    s1 = 1.0 / np.sqrt(D_IN)
    s2 = 1.0 / np.sqrt(D_HID)
    Wl1 = jax.random.uniform(k3, (D_IN, D_HID), minval=-s1, maxval=s1, dtype=jnp.float32)
    Wr1 = jax.random.uniform(k4, (D_IN, D_HID), minval=-s1, maxval=s1, dtype=jnp.float32)
    b1 = jax.random.uniform(k5, (D_HID,), minval=-s1, maxval=s1, dtype=jnp.float32)
    Wl2 = jax.random.uniform(k6, (D_HID, D_OUT), minval=-s2, maxval=s2, dtype=jnp.float32)
    Wr2 = jax.random.uniform(k7, (D_HID, D_OUT), minval=-s2, maxval=s2, dtype=jnp.float32)
    b2 = jax.random.uniform(k8, (D_OUT,), minval=-s2, maxval=s2, dtype=jnp.float32)
    return {"x": x, "edge_index": edge_index, "Wl1": Wl1, "Wr1": Wr1, "b1": b1, "Wl2": Wl2, "Wr2": Wr2, "b2": b2}


def _sage_conv(x, edge_index, Wl, Wr, b):
    # SAGEConv (mean aggregation): out = lin_l(mean_{j in N(i)} x_j) + lin_r(x_i)
    src = edge_index[0]
    dst = edge_index[1]
    n = x.shape[0]
    msgs = jnp.take(x, src, axis=0)                      # gather  [E, d]
    agg = jax.ops.segment_sum(msgs, dst, num_segments=n)  # scatter-add
    cnt = jax.ops.segment_sum(jnp.ones((src.shape[0],), dtype=x.dtype), dst, num_segments=n)
    mean = agg / jnp.clip(cnt, 1.0, None)[:, None]
    return mean @ Wl + x @ Wr + b


def reference(x, edge_index, Wl1, Wr1, b1, Wl2, Wr2, b2):
    h = _sage_conv(x, edge_index, Wl1, Wr1, b1)
    h = jax.nn.relu(h)
    # dropout(p=0.3) is identity in eval mode (deterministic reference)
    z = _sage_conv(h, edge_index, Wl2, Wr2, b2)
    return z

if __name__ == "__main__":
    import jax
    _d = setup_inputs()
    print(jax.jit(kernel)(*tuple(_d.values())))

</pallas_src>

<mosaic_0001>
#map = affine_map<(d0, d1) -> (0, 0)>
#map1 = affine_map<(d0, d1) -> (0, 0, 0)>
module attributes {stable_mosaic.version = 14 : i64} {
  func.func @sc_agg(%arg0: i32, %arg1: i32, %arg2: memref<10240x136xf32, #tpu.memory_space<hbm>>, %arg3: memref<32x103x128xi32, #tpu.memory_space<hbm>>, %arg4: memref<32x103x128xi32, #tpu.memory_space<hbm>>, %arg5: memref<128x136xf32, #tpu.memory_space<hbm>>, %arg6: memref<20480x136xf32, #tpu.memory_space<hbm>>, %arg7: memref<103x128xi32, #tpu.memory_space<vmem>>, %arg8: memref<103x128xi32, #tpu.memory_space<vmem>>, %arg9: memref<128x136xf32, #tpu.memory_space<vmem>>, %arg10: memref<10240x136xf32, #tpu.memory_space<vmem_shared>>, %arg11: memref<!tpu.dma_semaphore, #tpu.memory_space<semaphore_mem>>) attributes {dimension_semantics = [#tpu.dimension_semantics<core_parallel>, #tpu.dimension_semantics<subcore_parallel>], iteration_bounds = array<i64: 2, 16>, scalar_prefetch = 0 : i64, scratch_operands = 5 : i64, tpu.core_type = #tpu.core_type<sc_vector_subcore>, window_params = [{transform_indices = #map}, {transform_indices = #map1}, {transform_indices = #map1}, {transform_indices = #map}, {transform_indices = #map}]} {
    %mul3A = arith.constant 2 : i32
    %mul3A_0 = arith.muli %arg1, %mul3A : i32
    %add3A = arith.addi %mul3A_0, %arg0 : i32
    "tpu.region"() ({
      %run_scoped3A = tpu.sem_alloc : memref<!tpu.dma_semaphore, #tpu.memory_space<semaphore_mem>>
      %dma_start3A = arith.constant 0 : i32
      %dma_start3A_24 = arith.constant 0 : i32
      %dma_start3A_25 = tpu.memref_slice %arg3[%add3A, %dma_start3A, %dma_start3A_24] : memref<32x103x128xi32, #tpu.memory_space<hbm>> -> memref<1x103x128xi32, #tpu.memory_space<hbm>>
      %dma_start3A_26 = tpu.memref_squeeze %dma_start3A_25 : memref<1x103x128xi32, #tpu.memory_space<hbm>> -> memref<103x128xi32, #tpu.memory_space<hbm>>
      %dma_start3A_27 = arith.constant 0 : i32
      %dma_start3A_28 = arith.constant 0 : i32
      %dma_start3A_29 = tpu.memref_slice %arg3[%add3A, %dma_start3A_27, %dma_start3A_28] : memref<32x103x128xi32, #tpu.memory_space<hbm>> -> memref<1x103x128xi32, #tpu.memory_space<hbm>>
      %dma_start3A_30 = tpu.memref_squeeze %dma_start3A_29 : memref<1x103x128xi32, #tpu.memory_space<hbm>> -> memref<103x128xi32, #tpu.memory_space<hbm>>
      tpu.enqueue_dma source(%dma_start3A_30 : memref<103x128xi32, #tpu.memory_space<hbm>>) target(%arg7 : memref<103x128xi32, #tpu.memory_space<vmem>>) target_semaphore(%run_scoped3A : memref<!tpu.dma_semaphore, #tpu.memory_space<semaphore_mem>>)
      %dma_wait3A = arith.constant 0 : i32
      %dma_wait3A_31 = arith.constant 0 : i32
      %dma_wait3A_32 = tpu.memref_slice %arg3[%add3A, %dma_wait3A, %dma_wait3A_31] : memref<32x103x128xi32, #tpu.memory_space<hbm>> -> memref<1x103x128xi32, #tpu.memory_space<hbm>>
      %dma_wait3A_33 = tpu.memref_squeeze %dma_wait3A_32 : memref<1x103x128xi32, #tpu.memory_space<hbm>> -> memref<103x128xi32, #tpu.memory_space<hbm>>
      %dma_wait3A_34 = arith.constant 0 : i32
      %dma_wait3A_35 = arith.constant 0 : i32
      %dma_wait3A_36 = tpu.memref_slice %arg3[%add3A, %dma_wait3A_34, %dma_wait3A_35] : memref<32x103x128xi32, #tpu.memory_space<hbm>> -> memref<1x103x128xi32, #tpu.memory_space<hbm>>
      %dma_wait3A_37 = tpu.memref_squeeze %dma_wait3A_36 : memref<1x103x128xi32, #tpu.memory_space<hbm>> -> memref<103x128xi32, #tpu.memory_space<hbm>>
      tpu.wait_dma2 semaphore(%run_scoped3A : memref<!tpu.dma_semaphore, #tpu.memory_space<semaphore_mem>>) src(%dma_wait3A_37 : memref<103x128xi32, #tpu.memory_space<hbm>>) dst(%arg7 : memref<103x128xi32, #tpu.memory_space<vmem>>)
      tpu.yield
    }) : () -> ()
    "tpu.region"() ({
      %run_scoped3A = tpu.sem_alloc : memref<!tpu.dma_semaphore, #tpu.memory_space<semaphore_mem>>
      %dma_start3A = arith.constant 0 : i32
      %dma_start3A_24 = arith.constant 0 : i32
      %dma_start3A_25 = tpu.memref_slice %arg4[%add3A, %dma_start3A, %dma_start3A_24] : memref<32x103x128xi32, #tpu.memory_space<hbm>> -> memref<1x103x128xi32, #tpu.memory_space<hbm>>
      %dma_start3A_26 = tpu.memref_squeeze %dma_start3A_25 : memref<1x103x128xi32, #tpu.memory_space<hbm>> -> memref<103x128xi32, #tpu.memory_space<hbm>>
      %dma_start3A_27 = arith.constant 0 : i32
      %dma_start3A_28 = arith.constant 0 : i32
      %dma_start3A_29 = tpu.memref_slice %arg4[%add3A, %dma_start3A_27, %dma_start3A_28] : memref<32x103x128xi32, #tpu.memory_space<hbm>> -> memref<1x103x128xi32, #tpu.memory_space<hbm>>
      %dma_start3A_30 = tpu.memref_squeeze %dma_start3A_29 : memref<1x103x128xi32, #tpu.memory_space<hbm>> -> memref<103x128xi32, #tpu.memory_space<hbm>>
      tpu.enqueue_dma source(%dma_start3A_30 : memref<103x128xi32, #tpu.memory_space<hbm>>) target(%arg8 : memref<103x128xi32, #tpu.memory_space<vmem>>) target_semaphore(%run_scoped3A : memref<!tpu.dma_semaphore, #tpu.memory_space<semaphore_mem>>)
      %dma_wait3A = arith.constant 0 : i32
      %dma_wait3A_31 = arith.constant 0 : i32
      %dma_wait3A_32 = tpu.memref_slice %arg4[%add3A, %dma_wait3A, %dma_wait3A_31] : memref<32x103x128xi32, #tpu.memory_space<hbm>> -> memref<1x103x128xi32, #tpu.memory_space<hbm>>
      %dma_wait3A_33 = tpu.memref_squeeze %dma_wait3A_32 : memref<1x103x128xi32, #tpu.memory_space<hbm>> -> memref<103x128xi32, #tpu.memory_space<hbm>>
      %dma_wait3A_34 = arith.constant 0 : i32
      %dma_wait3A_35 = arith.constant 0 : i32
      %dma_wait3A_36 = tpu.memref_slice %arg4[%add3A, %dma_wait3A_34, %dma_wait3A_35] : memref<32x103x128xi32, #tpu.memory_space<hbm>> -> memref<1x103x128xi32, #tpu.memory_space<hbm>>
      %dma_wait3A_37 = tpu.memref_squeeze %dma_wait3A_36 : memref<1x103x128xi32, #tpu.memory_space<hbm>> -> memref<103x128xi32, #tpu.memory_space<hbm>>
      tpu.wait_dma2 semaphore(%run_scoped3A : memref<!tpu.dma_semaphore, #tpu.memory_space<semaphore_mem>>) src(%dma_wait3A_37 : memref<103x128xi32, #tpu.memory_space<hbm>>) dst(%arg8 : memref<103x128xi32, #tpu.memory_space<vmem>>)
      tpu.yield
    }) : () -> ()
    "tpu.region"() ({
      %run_scoped3A = tpu.sem_alloc : memref<!tpu.dma_semaphore, #tpu.memory_space<semaphore_mem>>
      tpu.enqueue_dma source(%arg5 : memref<128x136xf32, #tpu.memory_space<hbm>>) target(%arg9 : memref<128x136xf32, #tpu.memory_space<vmem>>) target_semaphore(%run_scoped3A : memref<!tpu.dma_semaphore, #tpu.memory_space<semaphore_mem>>)
      tpu.wait_dma2 semaphore(%run_scoped3A : memref<!tpu.dma_semaphore, #tpu.memory_space<semaphore_mem>>) src(%arg5 : memref<128x136xf32, #tpu.memory_space<hbm>>) dst(%arg9 : memref<128x136xf32, #tpu.memory_space<vmem>>)
      tpu.yield
    }) : () -> ()
    %scan3A = arith.constant 0 : i32
    %scan3A_1 = arith.constant 0 : i32
    %scan3A_2 = arith.constant 5 : i32
    %scan3A_3 = arith.addi %scan3A_1, %scan3A_2 : i32
    %scan3A_4 = arith.constant 1 : i32
    scf.for %scan3A_24 = %scan3A_1 to %scan3A_3 step %scan3A_4  : i32 {
      %mul3A_25 = arith.constant 640 : i32
      %mul3A_26 = arith.muli %arg1, %mul3A_25 : i32
      %mul3A_27 = arith.constant 128 : i32
      %mul3A_28 = arith.muli %scan3A_24, %mul3A_27 : i32
      %add3A_29 = arith.addi %mul3A_26, %mul3A_28 : i32
      "tpu.region"() ({
        %run_scoped3A = tpu.sem_alloc : memref<!tpu.dma_semaphore, #tpu.memory_space<semaphore_mem>>
        %dma_start3A = arith.constant 0 : i32
        %dma_start3A_30 = tpu.memref_slice %arg10[%add3A_29, %dma_start3A] : memref<10240x136xf32, #tpu.memory_space<vmem_shared>> -> memref<128x136xf32, #tpu.memory_space<vmem_shared>>
        %dma_start3A_31 = arith.constant 0 : i32
        %dma_start3A_32 = tpu.memref_slice %arg10[%add3A_29, %dma_start3A_31] : memref<10240x136xf32, #tpu.memory_space<vmem_shared>> -> memref<128x136xf32, #tpu.memory_space<vmem_shared>>
        tpu.enqueue_dma source(%arg9 : memref<128x136xf32, #tpu.memory_space<vmem>>) target(%dma_start3A_32 : memref<128x136xf32, #tpu.memory_space<vmem_shared>>) target_semaphore(%run_scoped3A : memref<!tpu.dma_semaphore, #tpu.memory_space<semaphore_mem>>)
        %dma_wait3A = arith.constant 0 : i32
        %dma_wait3A_33 = tpu.memref_slice %arg10[%add3A_29, %dma_wait3A] : memref<10240x136xf32, #tpu.memory_space<vmem_shared>> -> memref<128x136xf32, #tpu.memory_space<vmem_shared>>
        %dma_wait3A_34 = arith.constant 0 : i32
        %dma_wait3A_35 = tpu.memref_slice %arg10[%add3A_29, %dma_wait3A_34] : memref<10240x136xf32, #tpu.memory_space<vmem_shared>> -> memref<128x136xf32, #tpu.memory_space<vmem_shared>>
        tpu.wait_dma2 semaphore(%run_scoped3A : memref<!tpu.dma_semaphore, #tpu.memory_space<semaphore_mem>>) src(%arg9 : memref<128x136xf32, #tpu.memory_space<vmem>>) dst(%dma_wait3A_35 : memref<128x136xf32, #tpu.memory_space<vmem_shared>>)
        tpu.yield
      }) : () -> ()
    }
    %scan3A_5 = arith.constant 5 : i32
    %barrier3A = arith.constant 0 : index
    tpu.barrier barrier_id(%barrier3A)
    %eq3A = arith.constant 0 : i32
    %eq3A_6 = arith.cmpi eq, %arg0, %eq3A : i32
    %jit3A = arith.constant 103 : i32
    %jit3A_7 = arith.constant 55 : i32
    %select_n3A = arith.select %eq3A_6, %jit3A, %jit3A_7 : i32
    %while3A = arith.constant 0 : i32
    %while3A_8 = arith.constant 0 : i32
    %while3A_9 = arith.subi %select_n3A, %while3A_8 : i32
    %while3A_10 = arith.addi %while3A_8, %while3A_9 : i32
    %while3A_11 = arith.constant 1 : i32
    %while3A_12 = arith.divsi %while3A_9, %while3A_11 : i32
    %while3A_13 = arith.muli %while3A_12, %while3A_11 : i32
    %while3A_14 = arith.addi %while3A_8, %while3A_13 : i32
    %while3A_15 = arith.constant 1 : i32
    scf.for %while3A_24 = %while3A_8 to %while3A_14 step %while3A_15  : i32 {
      %dma_start3A = arith.constant 0 : i32
      %dma_start3A_25 = tpu.memref_slice %arg7[%while3A_24, %dma_start3A] : memref<103x128xi32, #tpu.memory_space<vmem>> -> memref<1x128xi32, #tpu.memory_space<vmem>>
      %dma_start3A_26 = tpu.memref_squeeze %dma_start3A_25 : memref<1x128xi32, #tpu.memory_space<vmem>> -> memref<128xi32, #tpu.memory_space<vmem>>
      %dma_start3A_27 = arith.constant 0 : i32
      %dma_start3A_28 = arith.constant 0 : i32
      %dma_start3A_29 = tpu.memref_slice %arg2[%dma_start3A_27, %dma_start3A_28] : memref<10240x136xf32, #tpu.memory_space<hbm>> -> memref<10240x136xf32, #tpu.memory_space<hbm>>
      tpu.enqueue_indirect_dma source(%dma_start3A_29 : memref<10240x136xf32, #tpu.memory_space<hbm>>) target(%arg9 : memref<128x136xf32, #tpu.memory_space<vmem>>) offsets(%dma_start3A_26 : memref<128xi32, #tpu.memory_space<vmem>>) semaphore(%arg11 : memref<!tpu.dma_semaphore, #tpu.memory_space<semaphore_mem>>)
      %dma_wait3A = arith.constant 0 : i32
      %dma_wait3A_30 = tpu.memref_slice %arg7[%while3A_24, %dma_wait3A] : memref<103x128xi32, #tpu.memory_space<vmem>> -> memref<1x128xi32, #tpu.memory_space<vmem>>
      %dma_wait3A_31 = tpu.memref_squeeze %dma_wait3A_30 : memref<1x128xi32, #tpu.memory_space<vmem>> -> memref<128xi32, #tpu.memory_space<vmem>>
      %dma_wait3A_32 = arith.constant 0 : i32
      %dma_wait3A_33 = arith.constant 0 : i32
      %dma_wait3A_34 = tpu.memref_slice %arg2[%dma_wait3A_32, %dma_wait3A_33] : memref<10240x136xf32, #tpu.memory_space<hbm>> -> memref<10240x136xf32, #tpu.memory_space<hbm>>
      tpu.wait_indirect_dma semaphore(%arg11 : memref<!tpu.dma_semaphore, #tpu.memory_space<semaphore_mem>>) src(%dma_wait3A_34 : memref<10240x136xf32, #tpu.memory_space<hbm>>) dst(%arg9 : memref<128x136xf32, #tpu.memory_space<vmem>>)
      "tpu.region"() ({
        %run_scoped3A = tpu.sem_alloc : memref<!tpu.dma_semaphore, #tpu.memory_space<semaphore_mem>>
        %dma_start3A_35 = arith.constant 0 : i32
        %dma_start3A_36 = tpu.memref_slice %arg8[%while3A_24, %dma_start3A_35] : memref<103x128xi32, #tpu.memory_space<vmem>> -> memref<1x128xi32, #tpu.memory_space<vmem>>
        %dma_start3A_37 = tpu.memref_squeeze %dma_start3A_36 : memref<1x128xi32, #tpu.memory_space<vmem>> -> memref<128xi32, #tpu.memory_space<vmem>>
        %dma_start3A_38 = arith.constant 0 : i32
        %dma_start3A_39 = arith.constant 0 : i32
        %dma_start3A_40 = tpu.memref_slice %arg10[%dma_start3A_38, %dma_start3A_39] : memref<10240x136xf32, #tpu.memory_space<vmem_shared>> -> memref<10240x136xf32, #tpu.memory_space<vmem_shared>>
        tpu.enqueue_indirect_dma source(%arg9 : memref<128x136xf32, #tpu.memory_space<vmem>>) target(%dma_start3A_40 : memref<10240x136xf32, #tpu.memory_space<vmem_shared>>) offsets(%dma_start3A_37 : memref<128xi32, #tpu.memory_space<vmem>>) semaphore(%run_scoped3A : memref<!tpu.dma_semaphore, #tpu.memory_space<semaphore_mem>>) {add = true}
        %dma_wait3A_41 = arith.constant 0 : i32
        %dma_wait3A_42 = tpu.memref_slice %arg8[%while3A_24, %dma_wait3A_41] : memref<103x128xi32, #tpu.memory_space<vmem>> -> memref<1x128xi32, #tpu.memory_space<vmem>>
        %dma_wait3A_43 = tpu.memref_squeeze %dma_wait3A_42 : memref<1x128xi32, #tpu.memory_space<vmem>> -> memref<128xi32, #tpu.memory_space<vmem>>
        %dma_wait3A_44 = arith.constant 0 : i32
        %dma_wait3A_45 = arith.constant 0 : i32
        %dma_wait3A_46 = tpu.memref_slice %arg10[%dma_wait3A_44, %dma_wait3A_45] : memref<10240x136xf32, #tpu.memory_space<vmem_shared>> -> memref<10240x136xf32, #tpu.memory_space<vmem_shared>>
        tpu.wait_indirect_dma semaphore(%run_scoped3A : memref<!tpu.dma_semaphore, #tpu.memory_space<semaphore_mem>>) src(%arg9 : memref<128x136xf32, #tpu.memory_space<vmem>>) dst(%dma_wait3A_46 : memref<10240x136xf32, #tpu.memory_space<vmem_shared>>)
        tpu.yield
      }) : () -> ()
    }
    %while3A_16 = arith.constant 1 : i32
    scf.for %while3A_24 = %while3A_14 to %while3A_10 step %while3A_16  : i32 {
      %dma_start3A = arith.constant 0 : i32
      %dma_start3A_25 = tpu.memref_slice %arg7[%while3A_24, %dma_start3A] : memref<103x128xi32, #tpu.memory_space<vmem>> -> memref<1x128xi32, #tpu.memory_space<vmem>>
      %dma_start3A_26 = tpu.memref_squeeze %dma_start3A_25 : memref<1x128xi32, #tpu.memory_space<vmem>> -> memref<128xi32, #tpu.memory_space<vmem>>
      %dma_start3A_27 = arith.constant 0 : i32
      %dma_start3A_28 = arith.constant 0 : i32
      %dma_start3A_29 = tpu.memref_slice %arg2[%dma_start3A_27, %dma_start3A_28] : memref<10240x136xf32, #tpu.memory_space<hbm>> -> memref<10240x136xf32, #tpu.memory_space<hbm>>
      tpu.enqueue_indirect_dma source(%dma_start3A_29 : memref<10240x136xf32, #tpu.memory_space<hbm>>) target(%arg9 : memref<128x136xf32, #tpu.memory_space<vmem>>) offsets(%dma_start3A_26 : memref<128xi32, #tpu.memory_space<vmem>>) semaphore(%arg11 : memref<!tpu.dma_semaphore, #tpu.memory_space<semaphore_mem>>)
      %dma_wait3A = arith.constant 0 : i32
      %dma_wait3A_30 = tpu.memref_slice %arg7[%while3A_24, %dma_wait3A] : memref<103x128xi32, #tpu.memory_space<vmem>> -> memref<1x128xi32, #tpu.memory_space<vmem>>
      %dma_wait3A_31 = tpu.memref_squeeze %dma_wait3A_30 : memref<1x128xi32, #tpu.memory_space<vmem>> -> memref<128xi32, #tpu.memory_space<vmem>>
      %dma_wait3A_32 = arith.constant 0 : i32
      %dma_wait3A_33 = arith.constant 0 : i32
      %dma_wait3A_34 = tpu.memref_slice %arg2[%dma_wait3A_32, %dma_wait3A_33] : memref<10240x136xf32, #tpu.memory_space<hbm>> -> memref<10240x136xf32, #tpu.memory_space<hbm>>
      tpu.wait_indirect_dma semaphore(%arg11 : memref<!tpu.dma_semaphore, #tpu.memory_space<semaphore_mem>>) src(%dma_wait3A_34 : memref<10240x136xf32, #tpu.memory_space<hbm>>) dst(%arg9 : memref<128x136xf32, #tpu.memory_space<vmem>>)
      "tpu.region"() ({
        %run_scoped3A = tpu.sem_alloc : memref<!tpu.dma_semaphore, #tpu.memory_space<semaphore_mem>>
        %dma_start3A_35 = arith.constant 0 : i32
        %dma_start3A_36 = tpu.memref_slice %arg8[%while3A_24, %dma_start3A_35] : memref<103x128xi32, #tpu.memory_space<vmem>> -> memref<1x128xi32, #tpu.memory_space<vmem>>
        %dma_start3A_37 = tpu.memref_squeeze %dma_start3A_36 : memref<1x128xi32, #tpu.memory_space<vmem>> -> memref<128xi32, #tpu.memory_space<vmem>>
        %dma_start3A_38 = arith.constant 0 : i32
        %dma_start3A_39 = arith.constant 0 : i32
        %dma_start3A_40 = tpu.memref_slice %arg10[%dma_start3A_38, %dma_start3A_39] : memref<10240x136xf32, #tpu.memory_space<vmem_shared>> -> memref<10240x136xf32, #tpu.memory_space<vmem_shared>>
        tpu.enqueue_indirect_dma source(%arg9 : memref<128x136xf32, #tpu.memory_space<vmem>>) target(%dma_start3A_40 : memref<10240x136xf32, #tpu.memory_space<vmem_shared>>) offsets(%dma_start3A_37 : memref<128xi32, #tpu.memory_space<vmem>>) semaphore(%run_scoped3A : memref<!tpu.dma_semaphore, #tpu.memory_space<semaphore_mem>>) {add = true}
        %dma_wait3A_41 = arith.constant 0 : i32
        %dma_wait3A_42 = tpu.memref_slice %arg8[%while3A_24, %dma_wait3A_41] : memref<103x128xi32, #tpu.memory_space<vmem>> -> memref<1x128xi32, #tpu.memory_space<vmem>>
        %dma_wait3A_43 = tpu.memref_squeeze %dma_wait3A_42 : memref<1x128xi32, #tpu.memory_space<vmem>> -> memref<128xi32, #tpu.memory_space<vmem>>
        %dma_wait3A_44 = arith.constant 0 : i32
        %dma_wait3A_45 = arith.constant 0 : i32
        %dma_wait3A_46 = tpu.memref_slice %arg10[%dma_wait3A_44, %dma_wait3A_45] : memref<10240x136xf32, #tpu.memory_space<vmem_shared>> -> memref<10240x136xf32, #tpu.memory_space<vmem_shared>>
        tpu.wait_indirect_dma semaphore(%run_scoped3A : memref<!tpu.dma_semaphore, #tpu.memory_space<semaphore_mem>>) src(%arg9 : memref<128x136xf32, #tpu.memory_space<vmem>>) dst(%dma_wait3A_46 : memref<10240x136xf32, #tpu.memory_space<vmem_shared>>)
        tpu.yield
      }) : () -> ()
    }
    %barrier3A_17 = arith.constant 0 : index
    tpu.barrier barrier_id(%barrier3A_17)
    %scan3A_18 = arith.constant 0 : i32
    %scan3A_19 = arith.constant 0 : i32
    %scan3A_20 = arith.constant 5 : i32
    %scan3A_21 = arith.addi %scan3A_19, %scan3A_20 : i32
    %scan3A_22 = arith.constant 1 : i32
    scf.for %scan3A_24 = %scan3A_19 to %scan3A_21 step %scan3A_22  : i32 {
      %mul3A_25 = arith.constant 640 : i32
      %mul3A_26 = arith.muli %arg1, %mul3A_25 : i32
      %mul3A_27 = arith.constant 128 : i32
      %mul3A_28 = arith.muli %scan3A_24, %mul3A_27 : i32
      %add3A_29 = arith.addi %mul3A_26, %mul3A_28 : i32
      "tpu.region"() ({
        %run_scoped3A = tpu.sem_alloc : memref<!tpu.dma_semaphore, #tpu.memory_space<semaphore_mem>>
        %dma_start3A = arith.constant 0 : i32
        %dma_start3A_33 = tpu.memref_slice %arg10[%add3A_29, %dma_start3A] : memref<10240x136xf32, #tpu.memory_space<vmem_shared>> -> memref<128x136xf32, #tpu.memory_space<vmem_shared>>
        %dma_start3A_34 = arith.constant 0 : i32
        %dma_start3A_35 = tpu.memref_slice %arg10[%add3A_29, %dma_start3A_34] : memref<10240x136xf32, #tpu.memory_space<vmem_shared>> -> memref<128x136xf32, #tpu.memory_space<vmem_shared>>
        tpu.enqueue_dma source(%dma_start3A_35 : memref<128x136xf32, #tpu.memory_space<vmem_shared>>) target(%arg9 : memref<128x136xf32, #tpu.memory_space<vmem>>) target_semaphore(%run_scoped3A : memref<!tpu.dma_semaphore, #tpu.memory_space<semaphore_mem>>)
        %dma_wait3A = arith.constant 0 : i32
        %dma_wait3A_36 = tpu.memref_slice %arg10[%add3A_29, %dma_wait3A] : memref<10240x136xf32, #tpu.memory_space<vmem_shared>> -> memref<128x136xf32, #tpu.memory_space<vmem_shared>>
        %dma_wait3A_37 = arith.constant 0 : i32
        %dma_wait3A_38 = tpu.memref_slice %arg10[%add3A_29, %dma_wait3A_37] : memref<10240x136xf32, #tpu.memory_space<vmem_shared>> -> memref<128x136xf32, #tpu.memory_space<vmem_shared>>
        tpu.wait_dma2 semaphore(%run_scoped3A : memref<!tpu.dma_semaphore, #tpu.memory_space<semaphore_mem>>) src(%dma_wait3A_38 : memref<128x136xf32, #tpu.memory_space<vmem_shared>>) dst(%arg9 : memref<128x136xf32, #tpu.memory_space<vmem>>)
        tpu.yield
      }) : () -> ()
      %mul3A_30 = arith.constant 10240 : i32
      %mul3A_31 = arith.muli %arg0, %mul3A_30 : i32
      %add3A_32 = arith.addi %mul3A_31, %add3A_29 : i32
      "tpu.region"() ({
        %run_scoped3A = tpu.sem_alloc : memref<!tpu.dma_semaphore, #tpu.memory_space<semaphore_mem>>
        %dma_start3A = arith.constant 0 : i32
        %dma_start3A_33 = tpu.memref_slice %arg6[%add3A_32, %dma_start3A] : memref<20480x136xf32, #tpu.memory_space<hbm>> -> memref<128x136xf32, #tpu.memory_space<hbm>>
        %dma_start3A_34 = arith.constant 0 : i32
        %dma_start3A_35 = tpu.memref_slice %arg6[%add3A_32, %dma_start3A_34] : memref<20480x136xf32, #tpu.memory_space<hbm>> -> memref<128x136xf32, #tpu.memory_space<hbm>>
        tpu.enqueue_dma source(%arg9 : memref<128x136xf32, #tpu.memory_space<vmem>>) target(%dma_start3A_35 : memref<128x136xf32, #tpu.memory_space<hbm>>) target_semaphore(%run_scoped3A : memref<!tpu.dma_semaphore, #tpu.memory_space<semaphore_mem>>)
        %dma_wait3A = arith.constant 0 : i32
        %dma_wait3A_36 = tpu.memref_slice %arg6[%add3A_32, %dma_wait3A] : memref<20480x136xf32, #tpu.memory_space<hbm>> -> memref<128x136xf32, #tpu.memory_space<hbm>>
        %dma_wait3A_37 = arith.constant 0 : i32
        %dma_wait3A_38 = tpu.memref_slice %arg6[%add3A_32, %dma_wait3A_37] : memref<20480x136xf32, #tpu.memory_space<hbm>> -> memref<128x136xf32, #tpu.memory_space<hbm>>
        tpu.wait_dma2 semaphore(%run_scoped3A : memref<!tpu.dma_semaphore, #tpu.memory_space<semaphore_mem>>) src(%arg9 : memref<128x136xf32, #tpu.memory_space<vmem>>) dst(%dma_wait3A_38 : memref<128x136xf32, #tpu.memory_space<hbm>>)
        tpu.yield
      }) : () -> ()
    }
    %scan3A_23 = arith.constant 5 : i32
    return
  }
}

#map = affine_map<(d0, d1) -> (0, 0)>
#map1 = affine_map<(d0, d1) -> (0, 0, 0)>
module attributes {stable_mosaic.version = 14 : i64} {
  func.func @sc_agg(%arg0: i32, %arg1: i32, %arg2: memref<10240x64xf32, #tpu.memory_space<hbm>>, %arg3: memref<32x103x128xi32, #tpu.memory_space<hbm>>, %arg4: memref<32x103x128xi32, #tpu.memory_space<hbm>>, %arg5: memref<128x64xf32, #tpu.memory_space<hbm>>, %arg6: memref<20480x64xf32, #tpu.memory_space<hbm>>, %arg7: memref<103x128xi32, #tpu.memory_space<vmem>>, %arg8: memref<103x128xi32, #tpu.memory_space<vmem>>, %arg9: memref<128x64xf32, #tpu.memory_space<vmem>>, %arg10: memref<10240x64xf32, #tpu.memory_space<vmem_shared>>, %arg11: memref<!tpu.dma_semaphore, #tpu.memory_space<semaphore_mem>>) attributes {dimension_semantics = [#tpu.dimension_semantics<core_parallel>, #tpu.dimension_semantics<subcore_parallel>], iteration_bounds = array<i64: 2, 16>, scalar_prefetch = 0 : i64, scratch_operands = 5 : i64, tpu.core_type = #tpu.core_type<sc_vector_subcore>, window_params = [{transform_indices = #map}, {transform_indices = #map1}, {transform_indices = #map1}, {transform_indices = #map}, {transform_indices = #map}]} {
    %mul3A = arith.constant 2 : i32
    %mul3A_0 = arith.muli %arg1, %mul3A : i32
    %add3A = arith.addi %mul3A_0, %arg0 : i32
    "tpu.region"() ({
      %run_scoped3A = tpu.sem_alloc : memref<!tpu.dma_semaphore, #tpu.memory_space<semaphore_mem>>
      %dma_start3A = arith.constant 0 : i32
      %dma_start3A_24 = arith.constant 0 : i32
      %dma_start3A_25 = tpu.memref_slice %arg3[%add3A, %dma_start3A, %dma_start3A_24] : memref<32x103x128xi32, #tpu.memory_space<hbm>> -> memref<1x103x128xi32, #tpu.memory_space<hbm>>
      %dma_start3A_26 = tpu.memref_squeeze %dma_start3A_25 : memref<1x103x128xi32, #tpu.memory_space<hbm>> -> memref<103x128xi32, #tpu.memory_space<hbm>>
      %dma_start3A_27 = arith.constant 0 : i32
      %dma_start3A_28 = arith.constant 0 : i32
      %dma_start3A_29 = tpu.memref_slice %arg3[%add3A, %dma_start3A_27, %dma_start3A_28] : memref<32x103x128xi32, #tpu.memory_space<hbm>> -> memref<1x103x128xi32, #tpu.memory_space<hbm>>
      %dma_start3A_30 = tpu.memref_squeeze %dma_start3A_29 : memref<1x103x128xi32, #tpu.memory_space<hbm>> -> memref<103x128xi32, #tpu.memory_space<hbm>>
      tpu.enqueue_dma source(%dma_start3A_30 : memref<103x128xi32, #tpu.memory_space<hbm>>) target(%arg7 : memref<103x128xi32, #tpu.memory_space<vmem>>) target_semaphore(%run_scoped3A : memref<!tpu.dma_semaphore, #tpu.memory_space<semaphore_mem>>)
      %dma_wait3A = arith.constant 0 : i32
      %dma_wait3A_31 = arith.constant 0 : i32
      %dma_wait3A_32 = tpu.memref_slice %arg3[%add3A, %dma_wait3A, %dma_wait3A_31] : memref<32x103x128xi32, #tpu.memory_space<hbm>> -> memref<1x103x128xi32, #tpu.memory_space<hbm>>
      %dma_wait3A_33 = tpu.memref_squeeze %dma_wait3A_32 : memref<1x103x128xi32, #tpu.memory_space<hbm>> -> memref<103x128xi32, #tpu.memory_space<hbm>>
      %dma_wait3A_34 = arith.constant 0 : i32
      %dma_wait3A_35 = arith.constant 0 : i32
      %dma_wait3A_36 = tpu.memref_slice %arg3[%add3A, %dma_wait3A_34, %dma_wait3A_35] : memref<32x103x128xi32, #tpu.memory_space<hbm>> -> memref<1x103x128xi32, #tpu.memory_space<hbm>>
      %dma_wait3A_37 = tpu.memref_squeeze %dma_wait3A_36 : memref<1x103x128xi32, #tpu.memory_space<hbm>> -> memref<103x128xi32, #tpu.memory_space<hbm>>
      tpu.wait_dma2 semaphore(%run_scoped3A : memref<!tpu.dma_semaphore, #tpu.memory_space<semaphore_mem>>) src(%dma_wait3A_37 : memref<103x128xi32, #tpu.memory_space<hbm>>) dst(%arg7 : memref<103x128xi32, #tpu.memory_space<vmem>>)
      tpu.yield
    }) : () -> ()
    "tpu.region"() ({
      %run_scoped3A = tpu.sem_alloc : memref<!tpu.dma_semaphore, #tpu.memory_space<semaphore_mem>>
      %dma_start3A = arith.constant 0 : i32
      %dma_start3A_24 = arith.constant 0 : i32
      %dma_start3A_25 = tpu.memref_slice %arg4[%add3A, %dma_start3A, %dma_start3A_24] : memref<32x103x128xi32, #tpu.memory_space<hbm>> -> memref<1x103x128xi32, #tpu.memory_space<hbm>>
      %dma_start3A_26 = tpu.memref_squeeze %dma_start3A_25 : memref<1x103x128xi32, #tpu.memory_space<hbm>> -> memref<103x128xi32, #tpu.memory_space<hbm>>
      %dma_start3A_27 = arith.constant 0 : i32
      %dma_start3A_28 = arith.constant 0 : i32
      %dma_start3A_29 = tpu.memref_slice %arg4[%add3A, %dma_start3A_27, %dma_start3A_28] : memref<32x103x128xi32, #tpu.memory_space<hbm>> -> memref<1x103x128xi32, #tpu.memory_space<hbm>>
      %dma_start3A_30 = tpu.memref_squeeze %dma_start3A_29 : memref<1x103x128xi32, #tpu.memory_space<hbm>> -> memref<103x128xi32, #tpu.memory_space<hbm>>
      tpu.enqueue_dma source(%dma_start3A_30 : memref<103x128xi32, #tpu.memory_space<hbm>>) target(%arg8 : memref<103x128xi32, #tpu.memory_space<vmem>>) target_semaphore(%run_scoped3A : memref<!tpu.dma_semaphore, #tpu.memory_space<semaphore_mem>>)
      %dma_wait3A = arith.constant 0 : i32
      %dma_wait3A_31 = arith.constant 0 : i32
      %dma_wait3A_32 = tpu.memref_slice %arg4[%add3A, %dma_wait3A, %dma_wait3A_31] : memref<32x103x128xi32, #tpu.memory_space<hbm>> -> memref<1x103x128xi32, #tpu.memory_space<hbm>>
      %dma_wait3A_33 = tpu.memref_squeeze %dma_wait3A_32 : memref<1x103x128xi32, #tpu.memory_space<hbm>> -> memref<103x128xi32, #tpu.memory_space<hbm>>
      %dma_wait3A_34 = arith.constant 0 : i32
      %dma_wait3A_35 = arith.constant 0 : i32
      %dma_wait3A_36 = tpu.memref_slice %arg4[%add3A, %dma_wait3A_34, %dma_wait3A_35] : memref<32x103x128xi32, #tpu.memory_space<hbm>> -> memref<1x103x128xi32, #tpu.memory_space<hbm>>
      %dma_wait3A_37 = tpu.memref_squeeze %dma_wait3A_36 : memref<1x103x128xi32, #tpu.memory_space<hbm>> -> memref<103x128xi32, #tpu.memory_space<hbm>>
      tpu.wait_dma2 semaphore(%run_scoped3A : memref<!tpu.dma_semaphore, #tpu.memory_space<semaphore_mem>>) src(%dma_wait3A_37 : memref<103x128xi32, #tpu.memory_space<hbm>>) dst(%arg8 : memref<103x128xi32, #tpu.memory_space<vmem>>)
      tpu.yield
    }) : () -> ()
    "tpu.region"() ({
      %run_scoped3A = tpu.sem_alloc : memref<!tpu.dma_semaphore, #tpu.memory_space<semaphore_mem>>
      tpu.enqueue_dma source(%arg5 : memref<128x64xf32, #tpu.memory_space<hbm>>) target(%arg9 : memref<128x64xf32, #tpu.memory_space<vmem>>) target_semaphore(%run_scoped3A : memref<!tpu.dma_semaphore, #tpu.memory_space<semaphore_mem>>)
      tpu.wait_dma2 semaphore(%run_scoped3A : memref<!tpu.dma_semaphore, #tpu.memory_space<semaphore_mem>>) src(%arg5 : memref<128x64xf32, #tpu.memory_space<hbm>>) dst(%arg9 : memref<128x64xf32, #tpu.memory_space<vmem>>)
      tpu.yield
    }) : () -> ()
    %scan3A = arith.constant 0 : i32
    %scan3A_1 = arith.constant 0 : i32
    %scan3A_2 = arith.constant 5 : i32
    %scan3A_3 = arith.addi %scan3A_1, %scan3A_2 : i32
    %scan3A_4 = arith.constant 1 : i32
    scf.for %scan3A_24 = %scan3A_1 to %scan3A_3 step %scan3A_4  : i32 {
      %mul3A_25 = arith.constant 640 : i32
      %mul3A_26 = arith.muli %arg1, %mul3A_25 : i32
      %mul3A_27 = arith.constant 128 : i32
      %mul3A_28 = arith.muli %scan3A_24, %mul3A_27 : i32
      %add3A_29 = arith.addi %mul3A_26, %mul3A_28 : i32
      "tpu.region"() ({
        %run_scoped3A = tpu.sem_alloc : memref<!tpu.dma_semaphore, #tpu.memory_space<semaphore_mem>>
        %dma_start3A = arith.constant 0 : i32
        %dma_start3A_30 = tpu.memref_slice %arg10[%add3A_29, %dma_start3A] : memref<10240x64xf32, #tpu.memory_space<vmem_shared>> -> memref<128x64xf32, #tpu.memory_space<vmem_shared>>
        %dma_start3A_31 = arith.constant 0 : i32
        %dma_start3A_32 = tpu.memref_slice %arg10[%add3A_29, %dma_start3A_31] : memref<10240x64xf32, #tpu.memory_space<vmem_shared>> -> memref<128x64xf32, #tpu.memory_space<vmem_shared>>
        tpu.enqueue_dma source(%arg9 : memref<128x64xf32, #tpu.memory_space<vmem>>) target(%dma_start3A_32 : memref<128x64xf32, #tpu.memory_space<vmem_shared>>) target_semaphore(%run_scoped3A : memref<!tpu.dma_semaphore, #tpu.memory_space<semaphore_mem>>)
        %dma_wait3A = arith.constant 0 : i32
        %dma_wait3A_33 = tpu.memref_slice %arg10[%add3A_29, %dma_wait3A] : memref<10240x64xf32, #tpu.memory_space<vmem_shared>> -> memref<128x64xf32, #tpu.memory_space<vmem_shared>>
        %dma_wait3A_34 = arith.constant 0 : i32
        %dma_wait3A_35 = tpu.memref_slice %arg10[%add3A_29, %dma_wait3A_34] : memref<10240x64xf32, #tpu.memory_space<vmem_shared>> -> memref<128x64xf32, #tpu.memory_space<vmem_shared>>
        tpu.wait_dma2 semaphore(%run_scoped3A : memref<!tpu.dma_semaphore, #tpu.memory_space<semaphore_mem>>) src(%arg9 : memref<128x64xf32, #tpu.memory_space<vmem>>) dst(%dma_wait3A_35 : memref<128x64xf32, #tpu.memory_space<vmem_shared>>)
        tpu.yield
      }) : () -> ()
    }
    %scan3A_5 = arith.constant 5 : i32
    %barrier3A = arith.constant 0 : index
    tpu.barrier barrier_id(%barrier3A)
    %eq3A = arith.constant 0 : i32
    %eq3A_6 = arith.cmpi eq, %arg0, %eq3A : i32
    %jit3A = arith.constant 103 : i32
    %jit3A_7 = arith.constant 55 : i32
    %select_n3A = arith.select %eq3A_6, %jit3A, %jit3A_7 : i32
    %while3A = arith.constant 0 : i32
    %while3A_8 = arith.constant 0 : i32
    %while3A_9 = arith.subi %select_n3A, %while3A_8 : i32
    %while3A_10 = arith.addi %while3A_8, %while3A_9 : i32
    %while3A_11 = arith.constant 1 : i32
    %while3A_12 = arith.divsi %while3A_9, %while3A_11 : i32
    %while3A_13 = arith.muli %while3A_12, %while3A_11 : i32
    %while3A_14 = arith.addi %while3A_8, %while3A_13 : i32
    %while3A_15 = arith.constant 1 : i32
    scf.for %while3A_24 = %while3A_8 to %while3A_14 step %while3A_15  : i32 {
      %dma_start3A = arith.constant 0 : i32
      %dma_start3A_25 = tpu.memref_slice %arg7[%while3A_24, %dma_start3A] : memref<103x128xi32, #tpu.memory_space<vmem>> -> memref<1x128xi32, #tpu.memory_space<vmem>>
      %dma_start3A_26 = tpu.memref_squeeze %dma_start3A_25 : memref<1x128xi32, #tpu.memory_space<vmem>> -> memref<128xi32, #tpu.memory_space<vmem>>
      %dma_start3A_27 = arith.constant 0 : i32
      %dma_start3A_28 = arith.constant 0 : i32
      %dma_start3A_29 = tpu.memref_slice %arg2[%dma_start3A_27, %dma_start3A_28] : memref<10240x64xf32, #tpu.memory_space<hbm>> -> memref<10240x64xf32, #tpu.memory_space<hbm>>
      tpu.enqueue_indirect_dma source(%dma_start3A_29 : memref<10240x64xf32, #tpu.memory_space<hbm>>) target(%arg9 : memref<128x64xf32, #tpu.memory_space<vmem>>) offsets(%dma_start3A_26 : memref<128xi32, #tpu.memory_space<vmem>>) semaphore(%arg11 : memref<!tpu.dma_semaphore, #tpu.memory_space<semaphore_mem>>)
      %dma_wait3A = arith.constant 0 : i32
      %dma_wait3A_30 = tpu.memref_slice %arg7[%while3A_24, %dma_wait3A] : memref<103x128xi32, #tpu.memory_space<vmem>> -> memref<1x128xi32, #tpu.memory_space<vmem>>
      %dma_wait3A_31 = tpu.memref_squeeze %dma_wait3A_30 : memref<1x128xi32, #tpu.memory_space<vmem>> -> memref<128xi32, #tpu.memory_space<vmem>>
      %dma_wait3A_32 = arith.constant 0 : i32
      %dma_wait3A_33 = arith.constant 0 : i32
      %dma_wait3A_34 = tpu.memref_slice %arg2[%dma_wait3A_32, %dma_wait3A_33] : memref<10240x64xf32, #tpu.memory_space<hbm>> -> memref<10240x64xf32, #tpu.memory_space<hbm>>
      tpu.wait_indirect_dma semaphore(%arg11 : memref<!tpu.dma_semaphore, #tpu.memory_space<semaphore_mem>>) src(%dma_wait3A_34 : memref<10240x64xf32, #tpu.memory_space<hbm>>) dst(%arg9 : memref<128x64xf32, #tpu.memory_space<vmem>>)
      "tpu.region"() ({
        %run_scoped3A = tpu.sem_alloc : memref<!tpu.dma_semaphore, #tpu.memory_space<semaphore_mem>>
        %dma_start3A_35 = arith.constant 0 : i32
        %dma_start3A_36 = tpu.memref_slice %arg8[%while3A_24, %dma_start3A_35] : memref<103x128xi32, #tpu.memory_space<vmem>> -> memref<1x128xi32, #tpu.memory_space<vmem>>
        %dma_start3A_37 = tpu.memref_squeeze %dma_start3A_36 : memref<1x128xi32, #tpu.memory_space<vmem>> -> memref<128xi32, #tpu.memory_space<vmem>>
        %dma_start3A_38 = arith.constant 0 : i32
        %dma_start3A_39 = arith.constant 0 : i32
        %dma_start3A_40 = tpu.memref_slice %arg10[%dma_start3A_38, %dma_start3A_39] : memref<10240x64xf32, #tpu.memory_space<vmem_shared>> -> memref<10240x64xf32, #tpu.memory_space<vmem_shared>>
        tpu.enqueue_indirect_dma source(%arg9 : memref<128x64xf32, #tpu.memory_space<vmem>>) target(%dma_start3A_40 : memref<10240x64xf32, #tpu.memory_space<vmem_shared>>) offsets(%dma_start3A_37 : memref<128xi32, #tpu.memory_space<vmem>>) semaphore(%run_scoped3A : memref<!tpu.dma_semaphore, #tpu.memory_space<semaphore_mem>>) {add = true}
        %dma_wait3A_41 = arith.constant 0 : i32
        %dma_wait3A_42 = tpu.memref_slice %arg8[%while3A_24, %dma_wait3A_41] : memref<103x128xi32, #tpu.memory_space<vmem>> -> memref<1x128xi32, #tpu.memory_space<vmem>>
        %dma_wait3A_43 = tpu.memref_squeeze %dma_wait3A_42 : memref<1x128xi32, #tpu.memory_space<vmem>> -> memref<128xi32, #tpu.memory_space<vmem>>
        %dma_wait3A_44 = arith.constant 0 : i32
        %dma_wait3A_45 = arith.constant 0 : i32
        %dma_wait3A_46 = tpu.memref_slice %arg10[%dma_wait3A_44, %dma_wait3A_45] : memref<10240x64xf32, #tpu.memory_space<vmem_shared>> -> memref<10240x64xf32, #tpu.memory_space<vmem_shared>>
        tpu.wait_indirect_dma semaphore(%run_scoped3A : memref<!tpu.dma_semaphore, #tpu.memory_space<semaphore_mem>>) src(%arg9 : memref<128x64xf32, #tpu.memory_space<vmem>>) dst(%dma_wait3A_46 : memref<10240x64xf32, #tpu.memory_space<vmem_shared>>)
        tpu.yield
      }) : () -> ()
    }
    %while3A_16 = arith.constant 1 : i32
    scf.for %while3A_24 = %while3A_14 to %while3A_10 step %while3A_16  : i32 {
      %dma_start3A = arith.constant 0 : i32
      %dma_start3A_25 = tpu.memref_slice %arg7[%while3A_24, %dma_start3A] : memref<103x128xi32, #tpu.memory_space<vmem>> -> memref<1x128xi32, #tpu.memory_space<vmem>>
      %dma_start3A_26 = tpu.memref_squeeze %dma_start3A_25 : memref<1x128xi32, #tpu.memory_space<vmem>> -> memref<128xi32, #tpu.memory_space<vmem>>
      %dma_start3A_27 = arith.constant 0 : i32
      %dma_start3A_28 = arith.constant 0 : i32
      %dma_start3A_29 = tpu.memref_slice %arg2[%dma_start3A_27, %dma_start3A_28] : memref<10240x64xf32, #tpu.memory_space<hbm>> -> memref<10240x64xf32, #tpu.memory_space<hbm>>
      tpu.enqueue_indirect_dma source(%dma_start3A_29 : memref<10240x64xf32, #tpu.memory_space<hbm>>) target(%arg9 : memref<128x64xf32, #tpu.memory_space<vmem>>) offsets(%dma_start3A_26 : memref<128xi32, #tpu.memory_space<vmem>>) semaphore(%arg11 : memref<!tpu.dma_semaphore, #tpu.memory_space<semaphore_mem>>)
      %dma_wait3A = arith.constant 0 : i32
      %dma_wait3A_30 = tpu.memref_slice %arg7[%while3A_24, %dma_wait3A] : memref<103x128xi32, #tpu.memory_space<vmem>> -> memref<1x128xi32, #tpu.memory_space<vmem>>
      %dma_wait3A_31 = tpu.memref_squeeze %dma_wait3A_30 : memref<1x128xi32, #tpu.memory_space<vmem>> -> memref<128xi32, #tpu.memory_space<vmem>>
      %dma_wait3A_32 = arith.constant 0 : i32
      %dma_wait3A_33 = arith.constant 0 : i32
      %dma_wait3A_34 = tpu.memref_slice %arg2[%dma_wait3A_32, %dma_wait3A_33] : memref<10240x64xf32, #tpu.memory_space<hbm>> -> memref<10240x64xf32, #tpu.memory_space<hbm>>
      tpu.wait_indirect_dma semaphore(%arg11 : memref<!tpu.dma_semaphore, #tpu.memory_space<semaphore_mem>>) src(%dma_wait3A_34 : memref<10240x64xf32, #tpu.memory_space<hbm>>) dst(%arg9 : memref<128x64xf32, #tpu.memory_space<vmem>>)
      "tpu.region"() ({
        %run_scoped3A = tpu.sem_alloc : memref<!tpu.dma_semaphore, #tpu.memory_space<semaphore_mem>>
        %dma_start3A_35 = arith.constant 0 : i32
        %dma_start3A_36 = tpu.memref_slice %arg8[%while3A_24, %dma_start3A_35] : memref<103x128xi32, #tpu.memory_space<vmem>> -> memref<1x128xi32, #tpu.memory_space<vmem>>
        %dma_start3A_37 = tpu.memref_squeeze %dma_start3A_36 : memref<1x128xi32, #tpu.memory_space<vmem>> -> memref<128xi32, #tpu.memory_space<vmem>>
        %dma_start3A_38 = arith.constant 0 : i32
        %dma_start3A_39 = arith.constant 0 : i32
        %dma_start3A_40 = tpu.memref_slice %arg10[%dma_start3A_38, %dma_start3A_39] : memref<10240x64xf32, #tpu.memory_space<vmem_shared>> -> memref<10240x64xf32, #tpu.memory_space<vmem_shared>>
        tpu.enqueue_indirect_dma source(%arg9 : memref<128x64xf32, #tpu.memory_space<vmem>>) target(%dma_start3A_40 : memref<10240x64xf32, #tpu.memory_space<vmem_shared>>) offsets(%dma_start3A_37 : memref<128xi32, #tpu.memory_space<vmem>>) semaphore(%run_scoped3A : memref<!tpu.dma_semaphore, #tpu.memory_space<semaphore_mem>>) {add = true}
        %dma_wait3A_41 = arith.constant 0 : i32
        %dma_wait3A_42 = tpu.memref_slice %arg8[%while3A_24, %dma_wait3A_41] : memref<103x128xi32, #tpu.memory_space<vmem>> -> memref<1x128xi32, #tpu.memory_space<vmem>>
        %dma_wait3A_43 = tpu.memref_squeeze %dma_wait3A_42 : memref<1x128xi32, #tpu.memory_space<vmem>> -> memref<128xi32, #tpu.memory_space<vmem>>
        %dma_wait3A_44 = arith.constant 0 : i32
        %dma_wait3A_45 = arith.constant 0 : i32
        %dma_wait3A_46 = tpu.memref_slice %arg10[%dma_wait3A_44, %dma_wait3A_45] : memref<10240x64xf32, #tpu.memory_space<vmem_shared>> -> memref<10240x64xf32, #tpu.memory_space<vmem_shared>>
        tpu.wait_indirect_dma semaphore(%run_scoped3A : memref<!tpu.dma_semaphore, #tpu.memory_space<semaphore_mem>>) src(%arg9 : memref<128x64xf32, #tpu.memory_space<vmem>>) dst(%dma_wait3A_46 : memref<10240x64xf32, #tpu.memory_space<vmem_shared>>)
        tpu.yield
      }) : () -> ()
    }
    %barrier3A_17 = arith.constant 0 : index
    tpu.barrier barrier_id(%barrier3A_17)
    %scan3A_18 = arith.constant 0 : i32
    %scan3A_19 = arith.constant 0 : i32
    %scan3A_20 = arith.constant 5 : i32
    %scan3A_21 = arith.addi %scan3A_19, %scan3A_20 : i32
    %scan3A_22 = arith.constant 1 : i32
    scf.for %scan3A_24 = %scan3A_19 to %scan3A_21 step %scan3A_22  : i32 {
      %mul3A_25 = arith.constant 640 : i32
      %mul3A_26 = arith.muli %arg1, %mul3A_25 : i32
      %mul3A_27 = arith.constant 128 : i32
      %mul3A_28 = arith.muli %scan3A_24, %mul3A_27 : i32
      %add3A_29 = arith.addi %mul3A_26, %mul3A_28 : i32
      "tpu.region"() ({
        %run_scoped3A = tpu.sem_alloc : memref<!tpu.dma_semaphore, #tpu.memory_space<semaphore_mem>>
        %dma_start3A = arith.constant 0 : i32
        %dma_start3A_33 = tpu.memref_slice %arg10[%add3A_29, %dma_start3A] : memref<10240x64xf32, #tpu.memory_space<vmem_shared>> -> memref<128x64xf32, #tpu.memory_space<vmem_shared>>
        %dma_start3A_34 = arith.constant 0 : i32
        %dma_start3A_35 = tpu.memref_slice %arg10[%add3A_29, %dma_start3A_34] : memref<10240x64xf32, #tpu.memory_space<vmem_shared>> -> memref<128x64xf32, #tpu.memory_space<vmem_shared>>
        tpu.enqueue_dma source(%dma_start3A_35 : memref<128x64xf32, #tpu.memory_space<vmem_shared>>) target(%arg9 : memref<128x64xf32, #tpu.memory_space<vmem>>) target_semaphore(%run_scoped3A : memref<!tpu.dma_semaphore, #tpu.memory_space<semaphore_mem>>)
        %dma_wait3A = arith.constant 0 : i32
        %dma_wait3A_36 = tpu.memref_slice %arg10[%add3A_29, %dma_wait3A] : memref<10240x64xf32, #tpu.memory_space<vmem_shared>> -> memref<128x64xf32, #tpu.memory_space<vmem_shared>>
        %dma_wait3A_37 = arith.constant 0 : i32
        %dma_wait3A_38 = tpu.memref_slice %arg10[%add3A_29, %dma_wait3A_37] : memref<10240x64xf32, #tpu.memory_space<vmem_shared>> -> memref<128x64xf32, #tpu.memory_space<vmem_shared>>
        tpu.wait_dma2 semaphore(%run_scoped3A : memref<!tpu.dma_semaphore, #tpu.memory_space<semaphore_mem>>) src(%dma_wait3A_38 : memref<128x64xf32, #tpu.memory_space<vmem_shared>>) dst(%arg9 : memref<128x64xf32, #tpu.memory_space<vmem>>)
        tpu.yield
      }) : () -> ()
      %mul3A_30 = arith.constant 10240 : i32
      %mul3A_31 = arith.muli %arg0, %mul3A_30 : i32
      %add3A_32 = arith.addi %mul3A_31, %add3A_29 : i32
      "tpu.region"() ({
        %run_scoped3A = tpu.sem_alloc : memref<!tpu.dma_semaphore, #tpu.memory_space<semaphore_mem>>
        %dma_start3A = arith.constant 0 : i32
        %dma_start3A_33 = tpu.memref_slice %arg6[%add3A_32, %dma_start3A] : memref<20480x64xf32, #tpu.memory_space<hbm>> -> memref<128x64xf32, #tpu.memory_space<hbm>>
        %dma_start3A_34 = arith.constant 0 : i32
        %dma_start3A_35 = tpu.memref_slice %arg6[%add3A_32, %dma_start3A_34] : memref<20480x64xf32, #tpu.memory_space<hbm>> -> memref<128x64xf32, #tpu.memory_space<hbm>>
        tpu.enqueue_dma source(%arg9 : memref<128x64xf32, #tpu.memory_space<vmem>>) target(%dma_start3A_35 : memref<128x64xf32, #tpu.memory_space<hbm>>) target_semaphore(%run_scoped3A : memref<!tpu.dma_semaphore, #tpu.memory_space<semaphore_mem>>)
        %dma_wait3A = arith.constant 0 : i32
        %dma_wait3A_36 = tpu.memref_slice %arg6[%add3A_32, %dma_wait3A] : memref<20480x64xf32, #tpu.memory_space<hbm>> -> memref<128x64xf32, #tpu.memory_space<hbm>>
        %dma_wait3A_37 = arith.constant 0 : i32
        %dma_wait3A_38 = tpu.memref_slice %arg6[%add3A_32, %dma_wait3A_37] : memref<20480x64xf32, #tpu.memory_space<hbm>> -> memref<128x64xf32, #tpu.memory_space<hbm>>
        tpu.wait_dma2 semaphore(%run_scoped3A : memref<!tpu.dma_semaphore, #tpu.memory_space<semaphore_mem>>) src(%arg9 : memref<128x64xf32, #tpu.memory_space<vmem>>) dst(%dma_wait3A_38 : memref<128x64xf32, #tpu.memory_space<hbm>>)
        tpu.yield
      }) : () -> ()
    }
    %scan3A_23 = arith.constant 5 : i32
    return
  }
}

module attributes {stable_mosaic.version = 14 : i64} {
  func.func @body(%arg0: i32, %arg1: memref<1024x128xf32, #tpu.memory_space<vmem>>, %arg2: memref<128x128xf32, #tpu.memory_space<vmem>>, %arg3: memref<128x128xf32, #tpu.memory_space<vmem>>, %arg4: memref<1x128xf32, #tpu.memory_space<vmem>>, %arg5: memref<1024x136xf32, #tpu.memory_space<vmem>>, %arg6: memref<1024x128xf32, #tpu.memory_space<vmem>>) attributes {dimension_semantics = [#tpu.dimension_semantics<arbitrary>], iteration_bounds = array<i64: 10>, scalar_prefetch = 0 : i64, scratch_operands = 0 : i64, tpu.core_type = #tpu.core_type<tc>, window_params = [{transform_indices = @transform_0, window_bounds = array<i64: 1024, 128>}, {pipeline_mode = #tpu.pipeline_mode<synchronous>, transform_indices = @transform_1, window_bounds = array<i64: 128, 128>}, {pipeline_mode = #tpu.pipeline_mode<synchronous>, transform_indices = @transform_2, window_bounds = array<i64: 128, 128>}, {pipeline_mode = #tpu.pipeline_mode<synchronous>, transform_indices = @transform_3, window_bounds = array<i64: 1, 128>}, {transform_indices = @transform_4, window_bounds = array<i64: 1024, 136>}, {transform_indices = @transform_5, window_bounds = array<i64: 1024, 128>}]} {
    %get3A = arith.constant 0 : index
    %get3A_0 = arith.constant 0 : index
    %get3A_1 = vector.load %arg1[%get3A, %get3A_0] : memref<1024x128xf32, #tpu.memory_space<vmem>>, vector<1024x128xf32>
    %get3A_2 = arith.constant 0 : index
    %get3A_3 = arith.constant 0 : index
    %get3A_4 = vector.load %arg2[%get3A_2, %get3A_3] : memref<128x128xf32, #tpu.memory_space<vmem>>, vector<128x128xf32>
    %dot_general3A = arith.constant dense<0.000000e+00> : vector<1024x128xf32>
    %dot_general3A_5 = tpu.matmul %get3A_1, %get3A_4, %dot_general3A {dimension_numbers = #tpu.dot_dimension_numbers<[1], [0], [0], [1], [0, 0, 1, 1], [], []>, transpose_lhs_hint = false} : vector<1024x128xf32>, vector<128x128xf32>, vector<1024x128xf32> -> vector<1024x128xf32>
    %iota3A = tpu.iota {dimensions = array<i32: 1>} : vector<1024x8xi32>
    %eq3A = arith.constant 0 : i32
    %eq3A_6 = vector.broadcast %eq3A : i32 to vector<1024x8xi32>
    %eq3A_7 = arith.cmpi eq, %iota3A, %eq3A_6 : vector<1024x8xi32>
    %jit3A = arith.constant 1.000000e+00 : f32
    %jit3A_8 = arith.constant 0.000000e+00 : f32
    %broadcast_in_dim3A = vector.broadcast %jit3A : f32 to vector<1024x8xf32>
    %broadcast_in_dim3A_9 = vector.broadcast %jit3A_8 : f32 to vector<1024x8xf32>
    %select_n3A = arith.select %eq3A_7, %broadcast_in_dim3A, %broadcast_in_dim3A_9 : vector<1024x8xi1>, vector<1024x8xf32>
    %concatenate3A = tpu.concatenate %dot_general3A_5, %select_n3A in 1 : vector<1024x128xf32>, vector<1024x8xf32> -> vector<1024x136xf32>
    %swap3A = arith.constant 0 : index
    %swap3A_10 = arith.constant 0 : index
    %swap3A_11 = vector.load %arg5[%swap3A, %swap3A_10] : memref<1024x136xf32, #tpu.memory_space<vmem>>, vector<1024x136xf32>
    tpu.vector_store %arg5[%swap3A, %swap3A_10], %concatenate3A {strides = array<i32>} : memref<1024x136xf32, #tpu.memory_space<vmem>>, vector<1024x136xf32>,
    %get3A_12 = arith.constant 0 : index
    %get3A_13 = arith.constant 0 : index
    %get3A_14 = vector.load %arg3[%get3A_12, %get3A_13] : memref<128x128xf32, #tpu.memory_space<vmem>>, vector<128x128xf32>
    %dot_general3A_15 = arith.constant dense<0.000000e+00> : vector<1024x128xf32>
    %dot_general3A_16 = tpu.matmul %get3A_1, %get3A_14, %dot_general3A_15 {dimension_numbers = #tpu.dot_dimension_numbers<[1], [0], [0], [1], [0, 0, 1, 1], [], []>, transpose_lhs_hint = false} : vector<1024x128xf32>, vector<128x128xf32>, vector<1024x128xf32> -> vector<1024x128xf32>
    %get3A_17 = arith.constant 0 : index
    %get3A_18 = arith.constant 0 : index
    %get3A_19 = vector.load %arg4[%get3A_17, %get3A_18] : memref<1x128xf32, #tpu.memory_space<vmem>>, vector<1x128xf32>
    %add3A = vector.broadcast %get3A_19 : vector<1x128xf32> to vector<1024x128xf32>
    %add3A_20 = arith.addf %dot_general3A_16, %add3A : vector<1024x128xf32>
    %swap3A_21 = arith.constant 0 : index
    %swap3A_22 = arith.constant 0 : index
    %swap3A_23 = vector.load %arg6[%swap3A_21, %swap3A_22] : memref<1024x128xf32, #tpu.memory_space<vmem>>, vector<1024x128xf32>
    tpu.vector_store %arg6[%swap3A_21, %swap3A_22], %add3A_20 {strides = array<i32>} : memref<1024x128xf32, #tpu.memory_space<vmem>>, vector<1024x128xf32>,
    return
  }
  func.func @transform_0(%arg0: i32) -> (i32, i32) {
    %c0_i32 = arith.constant 0 : i32
    %c0_i32_0 = arith.constant 0 : i32
    return %arg0, %c0_i32 : i32, i32
  }
  func.func @transform_1(%arg0: i32) -> (i32, i32) {
    %c0_i32 = arith.constant 0 : i32
    %c0_i32_0 = arith.constant 0 : i32
    %c0_i32_1 = arith.constant 0 : i32
    return %c0_i32, %c0_i32_0 : i32, i32
  }
  func.func @transform_2(%arg0: i32) -> (i32, i32) {
    %c0_i32 = arith.constant 0 : i32
    %c0_i32_0 = arith.constant 0 : i32
    %c0_i32_1 = arith.constant 0 : i32
    return %c0_i32, %c0_i32_0 : i32, i32
  }
  func.func @transform_3(%arg0: i32) -> (i32, i32) {
    %c0_i32 = arith.constant 0 : i32
    %c0_i32_0 = arith.constant 0 : i32
    %c0_i32_1 = arith.constant 0 : i32
    return %c0_i32, %c0_i32_0 : i32, i32
  }
  func.func @transform_4(%arg0: i32) -> (i32, i32) {
    %c0_i32 = arith.constant 0 : i32
    %c0_i32_0 = arith.constant 0 : i32
    return %arg0, %c0_i32 : i32, i32
  }
  func.func @transform_5(%arg0: i32) -> (i32, i32) {
    %c0_i32 = arith.constant 0 : i32
    %c0_i32_0 = arith.constant 0 : i32
    return %arg0, %c0_i32 : i32, i32
  }
}

module attributes {stable_mosaic.version = 14 : i64} {
  func.func @body(%arg0: i32, %arg1: memref<1024x136xf32, #tpu.memory_space<vmem>>, %arg2: memref<1024x136xf32, #tpu.memory_space<vmem>>, %arg3: memref<1024x128xf32, #tpu.memory_space<vmem>>, %arg4: memref<128x64xf32, #tpu.memory_space<vmem>>, %arg5: memref<128x64xf32, #tpu.memory_space<vmem>>, %arg6: memref<1x64xf32, #tpu.memory_space<vmem>>, %arg7: memref<1024x64xf32, #tpu.memory_space<vmem>>, %arg8: memref<1024x64xf32, #tpu.memory_space<vmem>>, %arg9: memref<1024x128xf32, #tpu.memory_space<vmem>>) attributes {dimension_semantics = [#tpu.dimension_semantics<arbitrary>], iteration_bounds = array<i64: 10>, scalar_prefetch = 0 : i64, scratch_operands = 0 : i64, tpu.core_type = #tpu.core_type<tc>, window_params = [{transform_indices = @transform_0, window_bounds = array<i64: 1024, 136>}, {transform_indices = @transform_1, window_bounds = array<i64: 1024, 136>}, {transform_indices = @transform_2, window_bounds = array<i64: 1024, 128>}, {pipeline_mode = #tpu.pipeline_mode<synchronous>, transform_indices = @transform_3, window_bounds = array<i64: 128, 64>}, {pipeline_mode = #tpu.pipeline_mode<synchronous>, transform_indices = @transform_4, window_bounds = array<i64: 128, 64>}, {pipeline_mode = #tpu.pipeline_mode<synchronous>, transform_indices = @transform_5, window_bounds = array<i64: 1, 64>}, {transform_indices = @transform_6, window_bounds = array<i64: 1024, 64>}, {transform_indices = @transform_7, window_bounds = array<i64: 1024, 64>}, {transform_indices = @transform_8, window_bounds = array<i64: 1024, 128>}]} {
    %get3A = arith.constant 0 : index
    %get3A_0 = arith.constant 0 : index
    %get3A_1 = vector.load %arg1[%get3A, %get3A_0] : memref<1024x136xf32, #tpu.memory_space<vmem>>, vector<1024x136xf32>
    %get3A_2 = arith.constant 0 : index
    %get3A_3 = arith.constant 0 : index
    %get3A_4 = vector.load %arg2[%get3A_2, %get3A_3] : memref<1024x136xf32, #tpu.memory_space<vmem>>, vector<1024x136xf32>
    %add3A = arith.addf %get3A_1, %get3A_4 : vector<1024x136xf32>
    %slice3A = vector.extract_strided_slice %add3A {offsets = [0, 128], sizes = [1024, 1], strides = [1, 1]} : vector<1024x136xf32> to vector<1024x1xf32>
    %max3A = arith.constant 1.000000e+00 : f32
    %max3A_5 = vector.broadcast %max3A : f32 to vector<1024x1xf32>
    %max3A_6 = arith.maximumf %slice3A, %max3A_5 : vector<1024x1xf32>
    %div3A = arith.constant 1.000000e+00 : f32
    %div3A_7 = vector.broadcast %div3A : f32 to vector<1024x1xf32>
    %div3A_8 = arith.divf %div3A_7, %max3A_6 : vector<1024x1xf32>
    %slice3A_9 = vector.extract_strided_slice %add3A {offsets = [0, 0], sizes = [1024, 128], strides = [1, 1]} : vector<1024x136xf32> to vector<1024x128xf32>
    %mul3A = vector.broadcast %div3A_8 : vector<1024x1xf32> to vector<1024x128xf32>
    %mul3A_10 = arith.mulf %slice3A_9, %mul3A : vector<1024x128xf32>
    %get3A_11 = arith.constant 0 : index
    %get3A_12 = arith.constant 0 : index
    %get3A_13 = vector.load %arg3[%get3A_11, %get3A_12] : memref<1024x128xf32, #tpu.memory_space<vmem>>, vector<1024x128xf32>
    %add3A_14 = arith.addf %mul3A_10, %get3A_13 : vector<1024x128xf32>
    %max3A_15 = arith.constant 0.000000e+00 : f32
    %max3A_16 = vector.broadcast %max3A_15 : f32 to vector<1024x128xf32>
    %max3A_17 = arith.maximumf %add3A_14, %max3A_16 : vector<1024x128xf32>
    %get3A_18 = arith.constant 0 : index
    %get3A_19 = arith.constant 0 : index
    %get3A_20 = vector.load %arg4[%get3A_18, %get3A_19] : memref<128x64xf32, #tpu.memory_space<vmem>>, vector<128x64xf32>
    %dot_general3A = arith.constant dense<0.000000e+00> : vector<1024x64xf32>
    %dot_general3A_21 = tpu.matmul %max3A_17, %get3A_20, %dot_general3A {dimension_numbers = #tpu.dot_dimension_numbers<[1], [0], [0], [1], [0, 0, 1, 1], [], []>, transpose_lhs_hint = false} : vector<1024x128xf32>, vector<128x64xf32>, vector<1024x64xf32> -> vector<1024x64xf32>
    %swap3A = arith.constant 0 : index
    %swap3A_22 = arith.constant 0 : index
    %swap3A_23 = vector.load %arg7[%swap3A, %swap3A_22] : memref<1024x64xf32, #tpu.memory_space<vmem>>, vector<1024x64xf32>
    tpu.vector_store %arg7[%swap3A, %swap3A_22], %dot_general3A_21 {strides = array<i32>} : memref<1024x64xf32, #tpu.memory_space<vmem>>, vector<1024x64xf32>,
    %get3A_24 = arith.constant 0 : index
    %get3A_25 = arith.constant 0 : index
    %get3A_26 = vector.load %arg5[%get3A_24, %get3A_25] : memref<128x64xf32, #tpu.memory_space<vmem>>, vector<128x64xf32>
    %dot_general3A_27 = arith.constant dense<0.000000e+00> : vector<1024x64xf32>
    %dot_general3A_28 = tpu.matmul %max3A_17, %get3A_26, %dot_general3A_27 {dimension_numbers = #tpu.dot_dimension_numbers<[1], [0], [0], [1], [0, 0, 1, 1], [], []>, transpose_lhs_hint = false} : vector<1024x128xf32>, vector<128x64xf32>, vector<1024x64xf32> -> vector<1024x64xf32>
    %get3A_29 = arith.constant 0 : index
    %get3A_30 = arith.constant 0 : index
    %get3A_31 = vector.load %arg6[%get3A_29, %get3A_30] : memref<1x64xf32, #tpu.memory_space<vmem>>, vector<1x64xf32>
    %add3A_32 = vector.broadcast %get3A_31 : vector<1x64xf32> to vector<1024x64xf32>
    %add3A_33 = arith.addf %dot_general3A_28, %add3A_32 : vector<1024x64xf32>
    %swap3A_34 = arith.constant 0 : index
    %swap3A_35 = arith.constant 0 : index
    %swap3A_36 = vector.load %arg8[%swap3A_34, %swap3A_35] : memref<1024x64xf32, #tpu.memory_space<vmem>>, vector<1024x64xf32>
    tpu.vector_store %arg8[%swap3A_34, %swap3A_35], %add3A_33 {strides = array<i32>} : memref<1024x64xf32, #tpu.memory_space<vmem>>, vector<1024x64xf32>,
    %broadcast_in_dim3A = vector.shape_cast %div3A_8 : vector<1024x1xf32> to vector<1024x1xf32>
    %broadcast_in_dim3A_37 = vector.broadcast %broadcast_in_dim3A : vector<1024x1xf32> to vector<1024x128xf32>
    %swap3A_38 = arith.constant 0 : index
    %swap3A_39 = arith.constant 0 : index
    %swap3A_40 = vector.load %arg9[%swap3A_38, %swap3A_39] : memref<1024x128xf32, #tpu.memory_space<vmem>>, vector<1024x128xf32>
    tpu.vector_store %arg9[%swap3A_38, %swap3A_39], %broadcast_in_dim3A_37 {strides = array<i32>} : memref<1024x128xf32, #tpu.memory_space<vmem>>, vector<1024x128xf32>,
    return
  }
  func.func @transform_0(%arg0: i32) -> (i32, i32) {
    %c0_i32 = arith.constant 0 : i32
    %c0_i32_0 = arith.constant 0 : i32
    return %arg0, %c0_i32 : i32, i32
  }
  func.func @transform_1(%arg0: i32) -> (i32, i32) {
    %add3A = arith.constant 10 : i32
    %add3A_0 = arith.addi %arg0, %add3A : i32
    %c0_i32 = arith.constant 0 : i32
    %c0_i32_1 = arith.constant 0 : i32
    return %add3A_0, %c0_i32 : i32, i32
  }
  func.func @transform_2(%arg0: i32) -> (i32, i32) {
    %c0_i32 = arith.constant 0 : i32
    %c0_i32_0 = arith.constant 0 : i32
    return %arg0, %c0_i32 : i32, i32
  }
  func.func @transform_3(%arg0: i32) -> (i32, i32) {
    %c0_i32 = arith.constant 0 : i32
    %c0_i32_0 = arith.constant 0 : i32
    %c0_i32_1 = arith.constant 0 : i32
    return %c0_i32, %c0_i32_0 : i32, i32
  }
  func.func @transform_4(%arg0: i32) -> (i32, i32) {
    %c0_i32 = arith.constant 0 : i32
    %c0_i32_0 = arith.constant 0 : i32
    %c0_i32_1 = arith.constant 0 : i32
    return %c0_i32, %c0_i32_0 : i32, i32
  }
  func.func @transform_5(%arg0: i32) -> (i32, i32) {
    %c0_i32 = arith.constant 0 : i32
    %c0_i32_0 = arith.constant 0 : i32
    %c0_i32_1 = arith.constant 0 : i32
    return %c0_i32, %c0_i32_0 : i32, i32
  }
  func.func @transform_6(%arg0: i32) -> (i32, i32) {
    %c0_i32 = arith.constant 0 : i32
    %c0_i32_0 = arith.constant 0 : i32
    return %arg0, %c0_i32 : i32, i32
  }
  func.func @transform_7(%arg0: i32) -> (i32, i32) {
    %c0_i32 = arith.constant 0 : i32
    %c0_i32_0 = arith.constant 0 : i32
    return %arg0, %c0_i32 : i32, i32
  }
  func.func @transform_8(%arg0: i32) -> (i32, i32) {
    %c0_i32 = arith.constant 0 : i32
    %c0_i32_0 = arith.constant 0 : i32
    return %arg0, %c0_i32 : i32, i32
  }
}

module attributes {stable_mosaic.version = 14 : i64} {
  func.func @body(%arg0: i32, %arg1: memref<1024x64xf32, #tpu.memory_space<vmem>>, %arg2: memref<1024x64xf32, #tpu.memory_space<vmem>>, %arg3: memref<1024x128xf32, #tpu.memory_space<vmem>>, %arg4: memref<1024x64xf32, #tpu.memory_space<vmem>>, %arg5: memref<1024x64xf32, #tpu.memory_space<vmem>>) attributes {dimension_semantics = [#tpu.dimension_semantics<arbitrary>], iteration_bounds = array<i64: 10>, scalar_prefetch = 0 : i64, scratch_operands = 0 : i64, tpu.core_type = #tpu.core_type<tc>, window_params = [{transform_indices = @transform_0, window_bounds = array<i64: 1024, 64>}, {transform_indices = @transform_1, window_bounds = array<i64: 1024, 64>}, {transform_indices = @transform_2, window_bounds = array<i64: 1024, 128>}, {transform_indices = @transform_3, window_bounds = array<i64: 1024, 64>}, {transform_indices = @transform_4, window_bounds = array<i64: 1024, 64>}]} {
    %get3A = arith.constant 0 : index
    %get3A_0 = arith.constant 0 : index
    %get3A_1 = vector.load %arg1[%get3A, %get3A_0] : memref<1024x64xf32, #tpu.memory_space<vmem>>, vector<1024x64xf32>
    %get3A_2 = arith.constant 0 : index
    %get3A_3 = arith.constant 0 : index
    %get3A_4 = vector.load %arg2[%get3A_2, %get3A_3] : memref<1024x64xf32, #tpu.memory_space<vmem>>, vector<1024x64xf32>
    %add3A = arith.addf %get3A_1, %get3A_4 : vector<1024x64xf32>
    %get3A_5 = arith.constant 0 : index
    %get3A_6 = arith.constant 0 : index
    %get3A_7 = vector.load %arg3[%get3A_5, %get3A_6] : memref<1024x128xf32, #tpu.memory_space<vmem>>, vector<1024x1xf32>
    %mul3A = vector.broadcast %get3A_7 : vector<1024x1xf32> to vector<1024x64xf32>
    %mul3A_8 = arith.mulf %add3A, %mul3A : vector<1024x64xf32>
    %get3A_9 = arith.constant 0 : index
    %get3A_10 = arith.constant 0 : index
    %get3A_11 = vector.load %arg4[%get3A_9, %get3A_10] : memref<1024x64xf32, #tpu.memory_space<vmem>>, vector<1024x64xf32>
    %add3A_12 = arith.addf %mul3A_8, %get3A_11 : vector<1024x64xf32>
    %swap3A = arith.constant 0 : index
    %swap3A_13 = arith.constant 0 : index
    %swap3A_14 = vector.load %arg5[%swap3A, %swap3A_13] : memref<1024x64xf32, #tpu.memory_space<vmem>>, vector<1024x64xf32>
    tpu.vector_store %arg5[%swap3A, %swap3A_13], %add3A_12 {strides = array<i32>} : memref<1024x64xf32, #tpu.memory_space<vmem>>, vector<1024x64xf32>,
    return
  }
  func.func @transform_0(%arg0: i32) -> (i32, i32) {
    %c0_i32 = arith.constant 0 : i32
    %c0_i32_0 = arith.constant 0 : i32
    return %arg0, %c0_i32 : i32, i32
  }
  func.func @transform_1(%arg0: i32) -> (i32, i32) {
    %add3A = arith.constant 10 : i32
    %add3A_0 = arith.addi %arg0, %add3A : i32
    %c0_i32 = arith.constant 0 : i32
    %c0_i32_1 = arith.constant 0 : i32
    return %add3A_0, %c0_i32 : i32, i32
  }
  func.func @transform_2(%arg0: i32) -> (i32, i32) {
    %c0_i32 = arith.constant 0 : i32
    %c0_i32_0 = arith.constant 0 : i32
    return %arg0, %c0_i32 : i32, i32
  }
  func.func @transform_3(%arg0: i32) -> (i32, i32) {
    %c0_i32 = arith.constant 0 : i32
    %c0_i32_0 = arith.constant 0 : i32
    return %arg0, %c0_i32 : i32, i32
  }
  func.func @transform_4(%arg0: i32) -> (i32, i32) {
    %c0_i32 = arith.constant 0 : i32
    %c0_i32_0 = arith.constant 0 : i32
    return %arg0, %c0_i32 : i32, i32
  }
}

</mosaic_0001>

<sc_bundles>
// kernel: kernel.10.cloned.1.call-start
scs
__scs_entry_jumppad:
0x0: {  	(pc) =	sbr.rel $0x88, $3  }
0x1: {  	(tag) =	ssettag $0x0;
	lr =	simm.s32 $0x1  }
0x2: {  	[smem:$0x3F99] =	sst lr;
	_ =	strace $0xD0000000  }
0x3: {  	_ = 	snop  }
0x4: {  	_ = 	snop  }
0x5: {  	_ = 	snop  }
0x6: {  	_ = 	snop  }
0x7: {  	_ = 	snop  }
__scs_overlays_trampoline_lowered:
0x8: {  	[smem:$0x3FA8] =	sst s0  }
0x9: {  	[smem:$0x3FA9] =	sst s1  }
0xa: {  	[smem:$0x3FAA] =	sst s2  }
0xb: {  	[smem:$0x3FAB] =	sst s3  }
0xc: {  	[smem:$0x3FAC] =	sst s4  }
0xd: {  	[smem:$0x3FAD] =	sst s5  }
0xe: {  	[smem:$0x3FAE] =	sst s6  }
0xf: {  	[smem:$0x3FAF] =	sst s7  }
0x10: {  	[smem:$0x3FB0] =	sst s8  }
0x11: {  	[smem:$0x3FB1] =	sst s9;
	s0 =	simm.s32 @!p0 $0x0  }
0x12: {  	s1 =	sld [smem:$0x3F97];
	s0 =	simm.s32 @p0 $0x1  }
0x13: {  	[smem:$0x3FB2] =	sst s0;
	s0 =	simm.s32 @!p1 $0x0  }
0x14: {  	s2 =	sld [smem:$0x3F96];
	s0 =	simm.s32 @p1 $0x1  }
0x15: {  	[smem:$0x3FB3] =	sst s0;
	s0 =	simm.s32 @!p2 $0x0  }
0x16: {  	s3 =	sld [smem:$0x3FDB];
	s0 =	simm.s32 @p2 $0x1  }
0x17: {  	s4 =	simm.s32 $0x1BF5;
	[smem:$0x3FB5] =	sst s0  }
0x18: {  	s0 =	sld [smem:$0x3F98];
	_ =	swait.ge [sflag:s4], $0x0  }
0x19: {  	s7 =	sld [smem:$0x3F99]  }
0x1a: {  	s8 =	sadd.s32 $0xFFFFE003, lr  }
0x1b: {  	s9 =	sadd.s32 $0xFFFFFEF7, lr;
	s5 =	simm.s32 $0xFFFFFFFF;
	p2 =	slt.u32 s8, $0xFFFFF086  }
0x1c: {  	p1 =	slt.u32 s9, $0xF7A;
	s5 =	simm.s32 @!p2 $0x0  }
0x1d: {  	s5 =	simm.s32 @p1 $0x1;
	p0 =	seq.s32 s7, s2  }
0x1e: {  	s7 =	smul.u32 @!p0 $0xF7A, s2;
	p2 =	seq.s32 @!p0 s5, $0x0  }
0x1f: {  	s9 =	smul.u32 $0xF7A, s1;
	s8 =	simm.s32 @!p0 $0x1BF5;
	p2 =	por !p2, p0  }
0x20: {  	[sflag:s8] =	ssyncset.s32 @!p0 $0xFFFFF086;
	s6 =	sadd.s32 @!p0 s3, s7;
	s7 =	simm.s32 @!p0 $0x108  }
0x21: {  	s3 =	sadd.s32 s3, s9;
	s6 =	sadd.s32 @!p0 $0x88, s6;
	s7 =	simm.s32 @p2 $0x1082  }
0x22: {  	[simem:s7], [sflag:s8] =	dma.local @!p0 [hbm:s6], $0xF7A  }
0x23: {  	s9 =	sor.u32 $0xD0000000, s2;
	s6 =	simm.s32 $0x108;
	_ =	swait.ge @!p0 [sflag:s8], $0x0  }
0x24: {  	s3 =	sadd.s32 $0x88, s3;
	s6 =	simm.s32 @!p1 $0x1082;
	[sflag:s4] =	ssyncset.s32 $0xFFFFF086  }
0x25: {  	[simem:s6], [sflag:s4] =	dma.local [hbm:s3], $0xF7A  }
0x26: {  	[smem:$0x3F99] =	sst s1;
	(tag) =	ssettag s2;
	_ =	strace s9  }
0x27: {  	s1 =	sld [smem:$0x3FA9]  }
0x28: {  	s2 =	sld [smem:$0x3FAA]  }
0x29: {  	s4 =	sld [smem:$0x3FAC]  }
0x2a: {  	p0 =	seq.s32 s5, $0x0;
	s5 =	sld [smem:$0x3FAD]  }
0x2b: {  	s6 =	sld [smem:$0x3FAE]  }
0x2c: {  	s7 =	sld [smem:$0x3FAF]  }
0x2d: {  	s3 =	simm.s32 $0x108;
	s8 =	sld [smem:$0x3FB0]  }
0x2e: {  	s3 =	simm.s32 @!p0 $0x1082;
	s9 =	sld [smem:$0x3FB1]  }
0x2f: {  	lr =	sadd.s32 s0, s3;
	s0 =	sld [smem:$0x3FA8]  }
0x30: {  	s3 =	sld [smem:$0x3FAB]  }
0x31: {  	[smem:$0x3FB4] =	sst s10  }
0x32: {  	s10 =	sld [smem:$0x3FB2];
	_ =	sdelay $0x3  }
0x33: {  	p0 =	seq.s32 s10, $0x1;
	s10 =	sld [smem:$0x3FB4];
	_ =	sdelay $0x3  }
0x34: {  	[smem:$0x3FB4] =	sst s10  }
0x35: {  	s10 =	sld [smem:$0x3FB3];
	_ =	sdelay $0x3  }
0x36: {  	p1 =	seq.s32 s10, $0x1;
	s10 =	sld [smem:$0x3FB4];
	_ =	sdelay $0x3  }
0x37: {  	[smem:$0x3FB4] =	sst s10  }
0x38: {  	s10 =	sld [smem:$0x3FB5]  }
0x39: {  	_ = 	snop;
	(pc) =	sbr.ind lr, $3  }
0x3a: {  	_ = 	snop  }
0x3b: {  	_ = 	snop  }
0x3c: {  	p2 =	seq.s32 s10, $0x1;
	s10 =	sld [smem:$0x3FB4]  }
0x3d: {  	_ =	shalt  }
0x3e: {  	_ =	shalt  }
0x3f: {  	_ =	shalt  }
0x40: {  	_ =	shalt  }
0x41: {  	_ =	shalt  }
0x42: {  	_ =	shalt  }
0x43: {  	_ =	shalt  }
0x44: {  	_ =	shalt  }
0x45: {  	_ =	shalt  }
0x46: {  	_ =	shalt  }
0x47: {  	_ =	shalt  }
0x48: {  	_ =	shalt  }
0x49: {  	_ =	shalt  }
0x4a: {  	_ =	shalt  }
0x4b: {  	_ =	shalt  }
0x4c: {  	_ =	shalt  }
0x4d: {  	_ =	shalt  }
0x4e: {  	_ =	shalt  }
0x4f: {  	_ =	shalt  }
0x50: {  	_ =	shalt  }
0x51: {  	_ =	shalt  }
0x52: {  	_ =	shalt  }
0x53: {  	_ =	shalt  }
0x54: {  	_ =	shalt  }
0x55: {  	_ =	shalt  }
0x56: {  	_ =	shalt  }
0x57: {  	_ =	shalt  }
0x58: {  	_ =	shalt  }
0x59: {  	_ =	shalt  }
0x5a: {  	_ =	shalt  }
0x5b: {  	_ =	shalt  }
0x5c: {  	_ =	shalt  }
0x5d: {  	_ =	shalt  }
0x5e: {  	_ =	shalt  }
0x5f: {  	_ =	shalt  }
0x60: {  	_ =	shalt  }
0x61: {  	_ =	shalt  }
0x62: {  	_ =	shalt  }
0x63: {  	_ =	shalt  }
0x64: {  	_ =	shalt  }
0x65: {  	_ =	shalt  }
0x66: {  	_ =	shalt  }
0x67: {  	_ =	shalt  }
0x68: {  	_ =	shalt  }
0x69: {  	_ =	shalt  }
0x6a: {  	_ =	shalt  }
0x6b: {  	_ =	shalt  }
0x6c: {  	_ =	shalt  }
0x6d: {  	_ =	shalt  }
0x6e: {  	_ =	shalt  }
0x6f: {  	_ =	shalt  }
0x70: {  	_ =	shalt  }
0x71: {  	_ =	shalt  }
0x72: {  	_ =	shalt  }
0x73: {  	_ =	shalt  }
0x74: {  	_ =	shalt  }
0x75: {  	_ =	shalt  }
0x76: {  	_ =	shalt  }
0x77: {  	_ =	shalt  }
0x78: {  	_ =	shalt  }
0x79: {  	_ =	shalt  }
0x7a: {  	_ =	shalt  }
0x7b: {  	_ =	shalt  }
0x7c: {  	_ =	shalt  }
0x7d: {  	_ =	shalt  }
0x7e: {  	_ =	shalt  }
0x7f: {  	_ =	shalt  }
0x80: {  	_ =	shalt  }
0x81: {  	_ =	shalt  }
0x82: {  	_ =	shalt  }
0x83: {  	_ =	shalt  }
0x84: {  	_ =	shalt  }
0x85: {  	_ =	shalt  }
0x86: {  	_ =	shalt  }
0x87: {  	_ =	shalt  }
.Lfunc_end0:
.L_simem_size_0:
called_computation.1_lowered:
.L_overlay_start_0:
0x88: {  	s2 =	sld [smem:$0x3FD9]  }
0x89: {  	s3 =	sld [smem:$0x3FFE];
	_ =	sdelay $0x1  }
0x8a: {  	s1 =	srdreg.scid  }
0x8b: {  	s0 =	sand.u32 $0x1, s1  }
0x8c: {  	s17 =	sshll.u32 s0, $0xA;
	s2 =	sadd.s32 s3, s2  }
0x8d: {  	s2 =	sadd.s32 s2, s17  }
0x8e: {  	[smem:$0x3FC0] =	sst s2  }
0x8f: {  	_ = 	snop  }
0x90: {  	s2 =	sld [smem:$0x3FD0];
	(tm) =	ssettm $0x1  }
0x91: {  	s18 =	sld [smem:$0x3FFB];
	_ =	sdelay $0x3  }
0x92: {  	_ =	strace s18  }
0x93: {  	s3 =	sld [smem:$0x3FFC];
	_ =	sdelay $0x3  }
0x94: {  	_ =	strace s3  }
0x95: {  	s3 =	sld [smem:$0x3FFD];
	_ =	sdelay $0x3  }
0x96: {  	_ =	strace s3  }
0x97: {  	_ =	strace $0x8FFFFFFF  }
0x98: {  	s19 =	sld [smem:$0x3FDB];
	_ =	sdelay $0x1  }
0x99: {  	s4 =	simm.s32 $_scs_section_size  }
0x9a: {  	s5 =	simm.s32 $_size__tile_overlayer_lowered;
	s6 =	simm.s32 $_tile_overlayer_lowered  }
0x9b: {  	s22 =	simm.s32 $0x1BFF;
	s21 =	sshll.u32 s6, $0x1;
	s3 =	sadd.s32 s4, s19  }
0x9c: {  	s7 =	simm.s32 $0x0;
	s20 =	sshll.u32 s5, $0x1;
	s5 =	sadd.s32 s21, s3  }
0x9d: {  	[timem:s7], [sflag:s22] =	dma.local [hbm:s5], s20  }
0x9e: {  	_ =	swait.ge [sflag:s22], s20  }
0x9f: {  	s4 =	ssub.s32 $0x0, s20;
	[sflag:s22] =	ssyncset.done $0x0  }
0xa0: {  	[sflag:s22] =	ssyncadd.s32 s4;
	_ =	sdelay $0x1  }
0xa1: {  	s23 =	simm.s32 $0x1B8B  }
0xa2: {  	_ =	swait.ge [sflag:s23], $0x1  }
0xa3: {  	[sflag:s23] =	ssyncset.done $0x0  }
0xa4: {  	s25 =	simm.s32 $0x1B8E;
	s24 =	sld [smem:$0x3FFE];
	[sflag:s23] =	ssyncadd.s32 $0xFFFFFFFF  }
0xa5: {  	s26 =	simm.s32 $execute0_lowered;
	[smem:$0x3FD2] =	sst s25  }
0xa6: {  	s5 =	sshll.u32 s26, $0x1;
	_ =	strace $0x80000049;
	[dreg:$0x1] =	wrdreg $0xFFFFFFFF  }
0xa7: {  	s28 =	simm.s32 $_size_execute0_lowered;
	s3 =	sadd.s32 s3, s5;
	[dreg:$0x0] =	wrdreg $0x0  }
0xa8: {  	s5 =	sshll.u32 s28, $0x1;
	[dreg:$0x2] =	wrdreg s3  }
0xa9: {  	[dreg:$0x3] =	wrdreg s5  }
0xaa: {  	[dreg:$0x4] =	wrdreg $0xC0  }
0xab: {  	_ =	task [dreg:s7], $0x5FFFF  }
0xac: {  	[dreg:$0x1] =	wrdreg $0xFFFFFFFF  }
0xad: {  	[dreg:$0x0] =	wrdreg $0x60  }
0xae: {  	[dreg:$0x2] =	wrdreg s24  }
0xaf: {  	[dreg:$0x3] =	wrdreg s2  }
0xb0: {  	[dreg:$0x4] =	wrdreg $0x87000  }
0xb1: {  	[dreg:$0x5] =	wrdreg $0x9  }
0xb2: {  	_ =	task.clear_ibuf [dreg:s7], $0x6FFFF;
	_ =	strace $0x90000049  }
0xb3: {  	s29 =	simm.s32 $0x9;
	_ =	strace $0x8000004B  }
0xb4: {  	_ =	swait.ge [sflag:s29], $0x1  }
0xb5: {  	[sflag:s29] =	ssyncadd.s32 $0xFFFFFFFF  }
0xb6: {  	_ =	strace $0x9000004B  }
0xb7: {  	_ =	sfence  }
0xb8: {  	s30 =	sld [smem:$0x0];
	_ =	sdelay $0x2  }
0xb9: {  	s31 =	sshll.u32 s1, $0xD;
	s1 =	sshrl.u32 s1, $0x2  }
0xba: {  	s3 =	sand.u32 $0x4000, s31;
	s1 =	sadd.s32 s1, s30  }
0xbb: {  	s0 =	sor.u32 s3, s0;
	s1 =	sshll.u32 s1, $0x11  }
0xbc: {  	s0 =	sor.u32 s1, s0  }
0xbd: {  	s0 =	sadd.s32 $0x8F2B, s0  }
0xbe: {  	[sflag:s0] =	ssyncadd.remote.s32 $0x1  }
0xbf: {  	_ =	sfence.sel $0xFFFF  }
0xc0: {  	[dreg:$0x0] =	wrdreg $0xFFFFFFFF;
	(pc) =	sbr.abs _section_cstart, $3  }
0xc1: {  	[dreg:$0x1] =	wrdreg $0xFFFFFFFF  }
0xc2: {  	_ =	task.clear_ibuf [dreg:s7], $0x2FFFF;
	_ =	strace $0x9FFFFFFF  }
0xc3: {  	(tm) =	ssettm $0x7FFFFFFF  }
tec
execute0_lowered:
.L_overlay_start_1:
0x0: {  	(tag) =	ssettag $0x1  }
0x1: {  	s1 =	rddreg [dreg:$0x0]  }
0x2: {  	s6 =	rddreg [dreg:$0x1];
	s3 =	srdreg.scid  }
0x3: {  	s0 =	stileid.u32;
	s2 =	rddreg [dreg:$0x2];
	s26 =	simm.s32 $0x80  }
0x4: {  	s28 =	simm.s32 $0x1;
	s29 =	simm.s32 $0x0;
	s9 =	sand.u32 $0x1, s3  }
0x5: {  	s4 =	sshll.u32 s0, $0x1;
	s3 =	simm.s32 $0x0;
	s12 =	smul.u32 $0x28000, s0  }
0x6: {  	s5 =	sadd.s32 $0x22000, s1;
	s21 =	smul.u32 $0x280, s0;
	s4 =	sor.u32 s9, s4  }
0x7: {  	[smem:$0x7FF] =	sst s3;
	s10 =	ssub.s32 $0x2, s9;
	s22 =	smul.u32 $0x2800, s9  }
0x8: {  	p0 =	seq.s32 s9, $0x0;
	s7 =	smul.u32 $0x670, s4;
	_ =	strace $0x8000004A  }
0x9: {  	s4 =	sadd.s32 $0xE000, s1;
	s11 =	sshrl.u32 s10, $0x1;
	s30 =	sshrl.u32 s12, $0x2  }
0xa: {  	s16 =	sadd.s32 $0x80, s21;
	s18 =	sadd.s32 $0x100, s21;
	s23 =	sadd.s32 $0x180, s21  }
0xb: {  	s10 =	ssub.s32 s10, s11;
	s9 =	sadd.s32 s30, s2;
	s14 =	sadd.s32 s22, s21  }
0xc: {  	s17 =	sadd.s32 s22, s16;
	s16 =	sshll.u32 s16, $0x6;
	s19 =	sadd.s32 s22, s18  }
0xd: {  	s18 =	sshll.u32 s18, $0x6;
	s20 =	sshll.u32 s23, $0x6;
	s23 =	sadd.s32 s22, s23  }
0xe: {  	s21 =	sadd.s32 $0x200, s21;
	s8 =	sadd.s32 s7, s1;
	s1 =	sadd.s32 $0x22400, s1  }
0xf: {  	s6 =	sadd.s32 s6, s7;
	s10 =	smax.u32 s10, $0x1;
	s11 =	sadd.s32 $0x2000, s9  }
0x10: {  	s12 =	sadd.s32 $0x4000, s9;
	s13 =	sadd.s32 $0x6000, s9;
	s15 =	sshll.u32 s14, $0x3  }
0x11: {  	s14 =	sadd.s32 $0x8000, s9;
	s17 =	sshll.u32 s17, $0x3;
	s16 =	sadd.s32 s16, s2  }
0x12: {  	s19 =	sshll.u32 s19, $0x3;
	s18 =	sadd.s32 s18, s2;
	s20 =	sadd.s32 s20, s2  }
0x13: {  	s23 =	sshll.u32 s23, $0x3;
	s24 =	sshll.u32 s21, $0x6;
	s25 =	sadd.s32 s22, s21  }
0x14: {  	s7 =	sadd.s32 $0x1200, s8;
	s8 =	simm.s32 $0x67;
	s15 =	sadd.s32 s1, s15  }
0x15: {  	s17 =	sadd.s32 s1, s17;
	s19 =	sadd.s32 s1, s19;
	s21 =	sadd.s32 s1, s23  }
0x16: {  	s22 =	sadd.s32 s24, s2;
	s31 =	sshll.u32 s25, $0x3;
	s24 =	simm.s32 $0x2  }
0x17: {  	s25 =	simm.s32 $0x6700;
	s8 =	simm.s32 @!p0 $0x37;
	s23 =	sadd.s32 s1, s31  }
.LBB2_1:
0x18: {  	[tilespmem:s3], [sflag:$0x2] =	stream.linear.gather [hbm4b:s6+s3], $0x3380, $0x38;
	[tilespmem:$0x12700] =	vst v63  }
0x19: {  	_ =	swait.ge [sflag:s24], $0x3380  }
0x1a: {  	[sflag:s24] =	ssyncset.done $0x0  }
0x1b: {  	s30 =	simm.s32 $0x3380;
	[sflag:s24] =	ssyncadd.s32 $0xFFFFCC80  }
0x1c: {  	[tilespmem:s30], [sflag:$0x2] =	stream.linear.gather [hbm4b:s7+s3], $0x3380, $0x38;
	[tilespmem:$0x12700] =	vst v63  }
0x1d: {  	_ =	swait.ge [sflag:s24], $0x3380  }
0x1e: {  	[sflag:s24] =	ssyncset.done $0x0  }
0x1f: {  	[sflag:s24] =	ssyncadd.s32 $0xFFFFCC80  }
0x20: {  	[tilespmem:s25], [sflag:$0x2] =	stream.linear.gather [hbm4b:s5+s3], $0x2000, $0x38;
	[tilespmem:$0x12700] =	vst v63  }
0x21: {  	_ =	swait.ge [sflag:s24], $0x2000  }
0x22: {  	[sflag:s24] =	ssyncset.done $0x0  }
0x23: {  	[sflag:s24] =	ssyncadd.s32 $0xFFFFE000  }
0x24: {  	[spmem:s9] =	stream.linear.scatter [tilespmem:s25], [sflag:$0x2], $0x2000, $0x38;
	[tilespmem:$0x12700] =	vst v63  }
0x25: {  	_ =	swait.ge [sflag:s24], $0x2000  }
0x26: {  	[sflag:s24] =	ssyncset.done $0x0  }
0x27: {  	[sflag:s24] =	ssyncadd.s32 $0xFFFFE000  }
0x28: {  	[spmem:s11] =	stream.linear.scatter [tilespmem:s25], [sflag:$0x2], $0x2000, $0x38;
	[tilespmem:$0x12700] =	vst v63  }
0x29: {  	_ =	swait.ge [sflag:s24], $0x2000  }
0x2a: {  	[sflag:s24] =	ssyncset.done $0x0  }
0x2b: {  	[sflag:s24] =	ssyncadd.s32 $0xFFFFE000  }
0x2c: {  	[spmem:s12] =	stream.linear.scatter [tilespmem:s25], [sflag:$0x2], $0x2000, $0x38;
	[tilespmem:$0x12700] =	vst v63  }
0x2d: {  	_ =	swait.ge [sflag:s24], $0x2000  }
0x2e: {  	[sflag:s24] =	ssyncset.done $0x0  }
0x2f: {  	[sflag:s24] =	ssyncadd.s32 $0xFFFFE000  }
0x30: {  	[spmem:s13] =	stream.linear.scatter [tilespmem:s25], [sflag:$0x2], $0x2000, $0x38;
	[tilespmem:$0x12700] =	vst v63  }
0x31: {  	_ =	swait.ge [sflag:s24], $0x2000  }
0x32: {  	[sflag:s24] =	ssyncset.done $0x0  }
0x33: {  	[sflag:s24] =	ssyncadd.s32 $0xFFFFE000  }
0x34: {  	[spmem:s14] =	stream.linear.scatter [tilespmem:s25], [sflag:$0x2], $0x2000, $0x38;
	[tilespmem:$0x12700] =	vst v63  }
0x35: {  	_ =	swait.ge [sflag:s24], $0x2000  }
0x36: {  	[sflag:s24] =	ssyncset.done $0x0  }
0x37: {  	[sflag:s24] =	ssyncadd.s32 $0xFFFFE000  }
0x38: {  	[bflag:$0x0] =	sbarrier.arrive $0xFFFF  }
0x39: {  	[tilespmem:s25], [sflag:$0x1] =	stream.indirect.gather [hbm4b:s4+s26], $0x40, s3, s26, $0xb8;
	[tilespmem:$0x12700] =	vst v63  }
0x3a: {  	p0 =	sne.s32 s8, $0x1;
	_ =	swait.ge [sflag:s28], $0x2000  }
.Ltmp0:
0x3b: {  	[sflag:s28] =	ssyncset.done $0x0;
	(pc) =	sbr.rel @!p0 .LBB2_3-.Ltmp0, $4  }
0x3c: {  	[sflag:s28] =	ssyncadd.s32 $0xFFFFE000  }
0x3d: {  	[spmem:s2] =	stream.indirect.scatter.add.f32 [tilespmem:s25], [sflag:$0x2], $0x40, s30, s26, $0xb8;
	[tilespmem:$0x12700] =	vst v63  }
0x3e: {  	_ =	swait.ge [sflag:s24], $0x2000  }
0x3f: {  	s31 =	sadd.s32 $0xFFFFFFFF, s8;
	s1 =	simm.s32 $0x0;
	[sflag:s24] =	ssyncset.done $0x0  }
.LBB2_2:
0x40: {  	[sflag:s24] =	ssyncadd.s32 $0xFFFFE000;
	s1 =	sadd.s32 $0x80, s1;
	s30 =	sadd.s32 $0x80, s30  }
0x41: {  	[tilespmem:s25], [sflag:$0x1] =	stream.indirect.gather [hbm4b:s4+s26], $0x40, s1, s26, $0xb8;
	[tilespmem:$0x12700] =	vst v63  }
0x42: {  	p0 =	sne.s32 s31, $0x1;
	s31 =	sadd.s32 $0xFFFFFFFF, s31;
	_ =	swait.ge [sflag:s28], $0x2000  }
.Ltmp1:
0x43: {  	[sflag:s28] =	ssyncset.done $0x0;
	(pc) =	sbr.rel @p0 .LBB2_2-.Ltmp1, $4  }
0x44: {  	[sflag:s28] =	ssyncadd.s32 $0xFFFFE000  }
0x45: {  	[spmem:s2] =	stream.indirect.scatter.add.f32 [tilespmem:s25], [sflag:$0x2], $0x40, s30, s26, $0xb8;
	[tilespmem:$0x12700] =	vst v63  }
0x46: {  	_ =	swait.ge [sflag:s24], $0x2000  }
0x47: {  	[sflag:s24] =	ssyncset.done $0x0  }
.LBB2_3:
0x48: {  	[sflag:s24] =	ssyncadd.s32 $0xFFFFE000  }
0x49: {  	[bflag:$0x0] =	sbarrier.arrive $0xFFFF  }
0x4a: {  	[tilespmem:s25], [sflag:$0x2] =	stream.linear.gather [spmem:s9], $0x2000, $0x38;
	[tilespmem:$0x12700] =	vst v63  }
0x4b: {  	_ =	swait.ge [sflag:s24], $0x2000  }
0x4c: {  	[sflag:s24] =	ssyncset.done $0x0  }
0x4d: {  	[sflag:s24] =	ssyncadd.s32 $0xFFFFE000  }
0x4e: {  	[hbm4b:s15+s3] =	stream.linear.scatter [tilespmem:s25], [sflag:$0x2], $0x2000, $0x38;
	[tilespmem:$0x12700] =	vst v63  }
0x4f: {  	_ =	swait.ge [sflag:s24], $0x2000  }
0x50: {  	[sflag:s24] =	ssyncset.done $0x0  }
0x51: {  	[sflag:s24] =	ssyncadd.s32 $0xFFFFE000  }
0x52: {  	[tilespmem:s25], [sflag:$0x2] =	stream.linear.gather [spmem:s16], $0x2000, $0x38;
	[tilespmem:$0x12700] =	vst v63  }
0x53: {  	_ =	swait.ge [sflag:s24], $0x2000  }
0x54: {  	[sflag:s24] =	ssyncset.done $0x0  }
0x55: {  	[sflag:s24] =	ssyncadd.s32 $0xFFFFE000  }
0x56: {  	[hbm4b:s17+s3] =	stream.linear.scatter [tilespmem:s25], [sflag:$0x2], $0x2000, $0x38;
	[tilespmem:$0x12700] =	vst v63  }
0x57: {  	_ =	swait.ge [sflag:s24], $0x2000  }
0x58: {  	[sflag:s24] =	ssyncset.done $0x0  }
0x59: {  	[sflag:s24] =	ssyncadd.s32 $0xFFFFE000  }
0x5a: {  	[tilespmem:s25], [sflag:$0x2] =	stream.linear.gather [spmem:s18], $0x2000, $0x38;
	[tilespmem:$0x12700] =	vst v63  }
0x5b: {  	_ =	swait.ge [sflag:s24], $0x2000  }
0x5c: {  	[sflag:s24] =	ssyncset.done $0x0  }
0x5d: {  	[sflag:s24] =	ssyncadd.s32 $0xFFFFE000  }
0x5e: {  	[hbm4b:s19+s3] =	stream.linear.scatter [tilespmem:s25], [sflag:$0x2], $0x2000, $0x38;
	[tilespmem:$0x12700] =	vst v63  }
0x5f: {  	_ =	swait.ge [sflag:s24], $0x2000  }
0x60: {  	[sflag:s24] =	ssyncset.done $0x0  }
0x61: {  	[sflag:s24] =	ssyncadd.s32 $0xFFFFE000  }
0x62: {  	[tilespmem:s25], [sflag:$0x2] =	stream.linear.gather [spmem:s20], $0x2000, $0x38;
	[tilespmem:$0x12700] =	vst v63  }
0x63: {  	_ =	swait.ge [sflag:s24], $0x2000  }
0x64: {  	[sflag:s24] =	ssyncset.done $0x0  }
0x65: {  	[sflag:s24] =	ssyncadd.s32 $0xFFFFE000  }
0x66: {  	[hbm4b:s21+s3] =	stream.linear.scatter [tilespmem:s25], [sflag:$0x2], $0x2000, $0x38;
	[tilespmem:$0x12700] =	vst v63  }
0x67: {  	_ =	swait.ge [sflag:s24], $0x2000  }
0x68: {  	[sflag:s24] =	ssyncset.done $0x0  }
0x69: {  	[sflag:s24] =	ssyncadd.s32 $0xFFFFE000  }
0x6a: {  	[tilespmem:s25], [sflag:$0x2] =	stream.linear.gather [spmem:s22], $0x2000, $0x38;
	[tilespmem:$0x12700] =	vst v63  }
0x6b: {  	s29 =	sadd.s32 $0x1, s29;
	_ =	swait.ge [sflag:s24], $0x2000  }
0x6c: {  	p0 =	sne.s32 s29, s10;
	[sflag:s24] =	ssyncset.done $0x0  }
.Ltmp2:
0x6d: {  	[sflag:s24] =	ssyncadd.s32 $0xFFFFE000;
	(pc) =	sbr.rel @p0 .LBB2_1-.Ltmp2, $4  }
0x6e: {  	[hbm4b:s23+s3] =	stream.linear.scatter [tilespmem:s25], [sflag:$0x2], $0x2000, $0x38;
	[tilespmem:$0x12700] =	vst v63  }
0x6f: {  	_ =	swait.ge [sflag:s24], $0x2000  }
0x70: {  	[sflag:s24] =	ssyncset.done $0x0  }
0x71: {  	[sflag:s24] =	ssyncadd.s32 $0xFFFFE000  }
0x72: {  	_ =	sfence.sel $0x180000  }
0x73: {  	[bflag:$0x0] =	sbarrier.arrive $0xFFFF  }
0x74: {  	_ =	strace $0x9000004A  }
0x75: {  	[bflag:$0x2] =	sbarrier.arrive $0xFFFF  }
0x76: {  	p0 =	sne.s32 s0, $0x0;
	s0 =	rddreg [dreg:$0x3]  }
0x77: {  	s0 =	sadd.s32 @!p0 $0x100000, s0  }
0x78: {  	[sflag:s0] =	ssyncadd.tile.s32 @!p0 $0x1;
	_ =	shalt  }
.Lfunc_end2:
_tile_overlayer_lowered:
.L_overlay_start_2:
0x79: {  	(tag) =	ssettag $0x2  }
0x7a: {  	s0 =	rddreg [dreg:$0x0];
	s2 =	stileid.u32  }
0x7b: {  	s1 =	rddreg [dreg:$0x1];
	p0 =	sne.s32 s2, $0x0  }
0x7c: {  	s3 =	rddreg [dreg:$0x2];
	[bflag:$0x3] =	sbarrier.arrive $0xFFFF;
	s2 =	simm.s32 @!p0 $0x1C02  }
0x7d: {  	[timem:s3], [sflag:s2] =	dma.local @!p0 [hbm:s0], s1  }
0x7e: {  	s0 =	simm.s32 @!p0 $0x2  }
0x7f: {  	_ =	swait.ge @!p0 [sflag:s0], s1  }
0x80: {  	s1 =	ssub.s32 @!p0 $0x0, s1;
	[sflag:s0] =	ssyncset.done @!p0 $0x0  }
0x81: {  	[sflag:s0] =	ssyncadd.s32 @!p0 s1  }
0x82: {  	[bflag:$0x3] =	sbarrier.arrive $0xFFFF  }
0x83: {  	_ =	shalt  }

// kernel: kernel.7.cloned.1.call-start
scs
__scs_entry_jumppad:
0x0: {  	(pc) =	sbr.rel $0x88, $3  }
0x1: {  	(tag) =	ssettag $0x0;
	lr =	simm.s32 $0x1  }
0x2: {  	[smem:$0x3F99] =	sst lr;
	_ =	strace $0xD0000000  }
0x3: {  	_ = 	snop  }
0x4: {  	_ = 	snop  }
0x5: {  	_ = 	snop  }
0x6: {  	_ = 	snop  }
0x7: {  	_ = 	snop  }
__scs_overlays_trampoline_lowered:
0x8: {  	[smem:$0x3FA8] =	sst s0  }
0x9: {  	[smem:$0x3FA9] =	sst s1  }
0xa: {  	[smem:$0x3FAA] =	sst s2  }
0xb: {  	[smem:$0x3FAB] =	sst s3  }
0xc: {  	[smem:$0x3FAC] =	sst s4  }
0xd: {  	[smem:$0x3FAD] =	sst s5  }
0xe: {  	[smem:$0x3FAE] =	sst s6  }
0xf: {  	[smem:$0x3FAF] =	sst s7  }
0x10: {  	[smem:$0x3FB0] =	sst s8  }
0x11: {  	[smem:$0x3FB1] =	sst s9;
	s0 =	simm.s32 @!p0 $0x0  }
0x12: {  	s1 =	sld [smem:$0x3F97];
	s0 =	simm.s32 @p0 $0x1  }
0x13: {  	[smem:$0x3FB2] =	sst s0;
	s0 =	simm.s32 @!p1 $0x0  }
0x14: {  	s2 =	sld [smem:$0x3F96];
	s0 =	simm.s32 @p1 $0x1  }
0x15: {  	[smem:$0x3FB3] =	sst s0;
	s0 =	simm.s32 @!p2 $0x0  }
0x16: {  	s3 =	sld [smem:$0x3FDB];
	s0 =	simm.s32 @p2 $0x1  }
0x17: {  	s4 =	simm.s32 $0x1BF5;
	[smem:$0x3FB5] =	sst s0  }
0x18: {  	s0 =	sld [smem:$0x3F98];
	_ =	swait.ge [sflag:s4], $0x0  }
0x19: {  	s7 =	sld [smem:$0x3F99]  }
0x1a: {  	s8 =	sadd.s32 $0xFFFFE003, lr  }
0x1b: {  	s9 =	sadd.s32 $0xFFFFFEF7, lr;
	s5 =	simm.s32 $0xFFFFFFFF;
	p2 =	slt.u32 s8, $0xFFFFF086  }
0x1c: {  	p1 =	slt.u32 s9, $0xF7A;
	s5 =	simm.s32 @!p2 $0x0  }
0x1d: {  	s5 =	simm.s32 @p1 $0x1;
	p0 =	seq.s32 s7, s2  }
0x1e: {  	s7 =	smul.u32 @!p0 $0xF7A, s2;
	p2 =	seq.s32 @!p0 s5, $0x0  }
0x1f: {  	s9 =	smul.u32 $0xF7A, s1;
	s8 =	simm.s32 @!p0 $0x1BF5;
	p2 =	por !p2, p0  }
0x20: {  	[sflag:s8] =	ssyncset.s32 @!p0 $0xFFFFF086;
	s6 =	sadd.s32 @!p0 s3, s7;
	s7 =	simm.s32 @!p0 $0x108  }
0x21: {  	s3 =	sadd.s32 s3, s9;
	s6 =	sadd.s32 @!p0 $0x88, s6;
	s7 =	simm.s32 @p2 $0x1082  }
0x22: {  	[simem:s7], [sflag:s8] =	dma.local @!p0 [hbm:s6], $0xF7A  }
0x23: {  	s9 =	sor.u32 $0xD0000000, s2;
	s6 =	simm.s32 $0x108;
	_ =	swait.ge @!p0 [sflag:s8], $0x0  }
0x24: {  	s3 =	sadd.s32 $0x88, s3;
	s6 =	simm.s32 @!p1 $0x1082;
	[sflag:s4] =	ssyncset.s32 $0xFFFFF086  }
0x25: {  	[simem:s6], [sflag:s4] =	dma.local [hbm:s3], $0xF7A  }
0x26: {  	[smem:$0x3F99] =	sst s1;
	(tag) =	ssettag s2;
	_ =	strace s9  }
0x27: {  	s1 =	sld [smem:$0x3FA9]  }
0x28: {  	s2 =	sld [smem:$0x3FAA]  }
0x29: {  	s4 =	sld [smem:$0x3FAC]  }
0x2a: {  	p0 =	seq.s32 s5, $0x0;
	s5 =	sld [smem:$0x3FAD]  }
0x2b: {  	s6 =	sld [smem:$0x3FAE]  }
0x2c: {  	s7 =	sld [smem:$0x3FAF]  }
0x2d: {  	s3 =	simm.s32 $0x108;
	s8 =	sld [smem:$0x3FB0]  }
0x2e: {  	s3 =	simm.s32 @!p0 $0x1082;
	s9 =	sld [smem:$0x3FB1]  }
0x2f: {  	lr =	sadd.s32 s0, s3;
	s0 =	sld [smem:$0x3FA8]  }
0x30: {  	s3 =	sld [smem:$0x3FAB]  }
0x31: {  	[smem:$0x3FB4] =	sst s10  }
0x32: {  	s10 =	sld [smem:$0x3FB2];
	_ =	sdelay $0x3  }
0x33: {  	p0 =	seq.s32 s10, $0x1;
	s10 =	sld [smem:$0x3FB4];
	_ =	sdelay $0x3  }
0x34: {  	[smem:$0x3FB4] =	sst s10  }
0x35: {  	s10 =	sld [smem:$0x3FB3];
	_ =	sdelay $0x3  }
0x36: {  	p1 =	seq.s32 s10, $0x1;
	s10 =	sld [smem:$0x3FB4];
	_ =	sdelay $0x3  }
0x37: {  	[smem:$0x3FB4] =	sst s10  }
0x38: {  	s10 =	sld [smem:$0x3FB5]  }
0x39: {  	_ = 	snop;
	(pc) =	sbr.ind lr, $3  }
0x3a: {  	_ = 	snop  }
0x3b: {  	_ = 	snop  }
0x3c: {  	p2 =	seq.s32 s10, $0x1;
	s10 =	sld [smem:$0x3FB4]  }
0x3d: {  	_ =	shalt  }
0x3e: {  	_ =	shalt  }
0x3f: {  	_ =	shalt  }
0x40: {  	_ =	shalt  }
0x41: {  	_ =	shalt  }
0x42: {  	_ =	shalt  }
0x43: {  	_ =	shalt  }
0x44: {  	_ =	shalt  }
0x45: {  	_ =	shalt  }
0x46: {  	_ =	shalt  }
0x47: {  	_ =	shalt  }
0x48: {  	_ =	shalt  }
0x49: {  	_ =	shalt  }
0x4a: {  	_ =	shalt  }
0x4b: {  	_ =	shalt  }
0x4c: {  	_ =	shalt  }
0x4d: {  	_ =	shalt  }
0x4e: {  	_ =	shalt  }
0x4f: {  	_ =	shalt  }
0x50: {  	_ =	shalt  }
0x51: {  	_ =	shalt  }
0x52: {  	_ =	shalt  }
0x53: {  	_ =	shalt  }
0x54: {  	_ =	shalt  }
0x55: {  	_ =	shalt  }
0x56: {  	_ =	shalt  }
0x57: {  	_ =	shalt  }
0x58: {  	_ =	shalt  }
0x59: {  	_ =	shalt  }
0x5a: {  	_ =	shalt  }
0x5b: {  	_ =	shalt  }
0x5c: {  	_ =	shalt  }
0x5d: {  	_ =	shalt  }
0x5e: {  	_ =	shalt  }
0x5f: {  	_ =	shalt  }
0x60: {  	_ =	shalt  }
0x61: {  	_ =	shalt  }
0x62: {  	_ =	shalt  }
0x63: {  	_ =	shalt  }
0x64: {  	_ =	shalt  }
0x65: {  	_ =	shalt  }
0x66: {  	_ =	shalt  }
0x67: {  	_ =	shalt  }
0x68: {  	_ =	shalt  }
0x69: {  	_ =	shalt  }
0x6a: {  	_ =	shalt  }
0x6b: {  	_ =	shalt  }
0x6c: {  	_ =	shalt  }
0x6d: {  	_ =	shalt  }
0x6e: {  	_ =	shalt  }
0x6f: {  	_ =	shalt  }
0x70: {  	_ =	shalt  }
0x71: {  	_ =	shalt  }
0x72: {  	_ =	shalt  }
0x73: {  	_ =	shalt  }
0x74: {  	_ =	shalt  }
0x75: {  	_ =	shalt  }
0x76: {  	_ =	shalt  }
0x77: {  	_ =	shalt  }
0x78: {  	_ =	shalt  }
0x79: {  	_ =	shalt  }
0x7a: {  	_ =	shalt  }
0x7b: {  	_ =	shalt  }
0x7c: {  	_ =	shalt  }
0x7d: {  	_ =	shalt  }
0x7e: {  	_ =	shalt  }
0x7f: {  	_ =	shalt  }
0x80: {  	_ =	shalt  }
0x81: {  	_ =	shalt  }
0x82: {  	_ =	shalt  }
0x83: {  	_ =	shalt  }
0x84: {  	_ =	shalt  }
0x85: {  	_ =	shalt  }
0x86: {  	_ =	shalt  }
0x87: {  	_ =	shalt  }
.Lfunc_end0:
.L_simem_size_0:
called_computation_lowered:
.L_overlay_start_0:
0x88: {  	s2 =	sld [smem:$0x3FD9]  }
0x89: {  	s3 =	sld [smem:$0x3FFE];
	_ =	sdelay $0x1  }
0x8a: {  	s1 =	srdreg.scid  }
0x8b: {  	s0 =	sand.u32 $0x1, s1  }
0x8c: {  	s17 =	sshll.u32 s0, $0xA;
	s2 =	sadd.s32 s3, s2  }
0x8d: {  	s2 =	sadd.s32 s2, s17  }
0x8e: {  	[smem:$0x3FC0] =	sst s2  }
0x8f: {  	_ = 	snop  }
0x90: {  	s2 =	sld [smem:$0x3FD0];
	(tm) =	ssettm $0x1  }
0x91: {  	s18 =	sld [smem:$0x3FFB];
	_ =	sdelay $0x3  }
0x92: {  	_ =	strace s18  }
0x93: {  	s3 =	sld [smem:$0x3FFC];
	_ =	sdelay $0x3  }
0x94: {  	_ =	strace s3  }
0x95: {  	s3 =	sld [smem:$0x3FFD];
	_ =	sdelay $0x3  }
0x96: {  	_ =	strace s3  }
0x97: {  	_ =	strace $0x8FFFFFFF  }
0x98: {  	s19 =	sld [smem:$0x3FDB];
	_ =	sdelay $0x1  }
0x99: {  	s4 =	simm.s32 $_scs_section_size  }
0x9a: {  	s5 =	simm.s32 $_size__tile_overlayer_lowered;
	s6 =	simm.s32 $_tile_overlayer_lowered  }
0x9b: {  	s22 =	simm.s32 $0x1BFF;
	s21 =	sshll.u32 s6, $0x1;
	s3 =	sadd.s32 s4, s19  }
0x9c: {  	s7 =	simm.s32 $0x0;
	s20 =	sshll.u32 s5, $0x1;
	s5 =	sadd.s32 s21, s3  }
0x9d: {  	[timem:s7], [sflag:s22] =	dma.local [hbm:s5], s20  }
0x9e: {  	_ =	swait.ge [sflag:s22], s20  }
0x9f: {  	s4 =	ssub.s32 $0x0, s20;
	[sflag:s22] =	ssyncset.done $0x0  }
0xa0: {  	[sflag:s22] =	ssyncadd.s32 s4;
	_ =	sdelay $0x1  }
0xa1: {  	s23 =	simm.s32 $0x1B8B  }
0xa2: {  	_ =	swait.ge [sflag:s23], $0x1  }
0xa3: {  	[sflag:s23] =	ssyncset.done $0x0  }
0xa4: {  	s25 =	simm.s32 $0x1B8E;
	s24 =	sld [smem:$0x3FFE];
	[sflag:s23] =	ssyncadd.s32 $0xFFFFFFFF  }
0xa5: {  	s26 =	simm.s32 $execute0_lowered;
	[smem:$0x3FD2] =	sst s25  }
0xa6: {  	s5 =	sshll.u32 s26, $0x1;
	_ =	strace $0x80000046;
	[dreg:$0x1] =	wrdreg $0xFFFFFFFF  }
0xa7: {  	s28 =	simm.s32 $_size_execute0_lowered;
	s3 =	sadd.s32 s3, s5;
	[dreg:$0x0] =	wrdreg $0x0  }
0xa8: {  	s5 =	sshll.u32 s28, $0x1;
	[dreg:$0x2] =	wrdreg s3  }
0xa9: {  	[dreg:$0x3] =	wrdreg s5  }
0xaa: {  	[dreg:$0x4] =	wrdreg $0xC0  }
0xab: {  	_ =	task [dreg:s7], $0x5FFFF  }
0xac: {  	[dreg:$0x1] =	wrdreg $0xFFFFFFFF  }
0xad: {  	[dreg:$0x0] =	wrdreg $0x60  }
0xae: {  	[dreg:$0x2] =	wrdreg s24  }
0xaf: {  	[dreg:$0x3] =	wrdreg s2  }
0xb0: {  	[dreg:$0x4] =	wrdreg $0xAB000  }
0xb1: {  	[dreg:$0x5] =	wrdreg $0x9  }
0xb2: {  	_ =	task.clear_ibuf [dreg:s7], $0x6FFFF;
	_ =	strace $0x90000046  }
0xb3: {  	s29 =	simm.s32 $0x9;
	_ =	strace $0x80000048  }
0xb4: {  	_ =	swait.ge [sflag:s29], $0x1  }
0xb5: {  	[sflag:s29] =	ssyncadd.s32 $0xFFFFFFFF  }
0xb6: {  	_ =	strace $0x90000048  }
0xb7: {  	_ =	sfence  }
0xb8: {  	s30 =	sld [smem:$0x0];
	_ =	sdelay $0x2  }
0xb9: {  	s31 =	sshll.u32 s1, $0xD;
	s1 =	sshrl.u32 s1, $0x2  }
0xba: {  	s3 =	sand.u32 $0x4000, s31;
	s1 =	sadd.s32 s1, s30  }
0xbb: {  	s0 =	sor.u32 s3, s0;
	s1 =	sshll.u32 s1, $0x11  }
0xbc: {  	s0 =	sor.u32 s1, s0  }
0xbd: {  	s0 =	sadd.s32 $0x8F2B, s0  }
0xbe: {  	[sflag:s0] =	ssyncadd.remote.s32 $0x1  }
0xbf: {  	_ =	sfence.sel $0xFFFF  }
0xc0: {  	[dreg:$0x0] =	wrdreg $0xFFFFFFFF;
	(pc) =	sbr.abs _section_cstart, $3  }
0xc1: {  	[dreg:$0x1] =	wrdreg $0xFFFFFFFF  }
0xc2: {  	_ =	task.clear_ibuf [dreg:s7], $0x2FFFF;
	_ =	strace $0x9FFFFFFF  }
0xc3: {  	(tm) =	ssettm $0x7FFFFFFF  }
tec
execute0_lowered:
.L_overlay_start_1:
0x0: {  	(tag) =	ssettag $0x1  }
0x1: {  	s6 =	rddreg [dreg:$0x0]  }
0x2: {  	s7 =	rddreg [dreg:$0x1]  }
0x3: {  	s1 =	srdreg.scid;
	s0 =	stileid.u32  }
0x4: {  	s2 =	rddreg [dreg:$0x2];
	s3 =	simm.s32 $0x0;
	s20 =	simm.s32 $0x2  }
0x5: {  	s21 =	simm.s32 $0x6700;
	s22 =	simm.s32 $0x80;
	s23 =	simm.s32 $0x1  }
0x6: {  	s9 =	sand.u32 $0x1, s1;
	s4 =	sshll.u32 s0, $0x1;
	s1 =	rddreg [dreg:$0x3]  }
0x7: {  	[smem:$0x7FF] =	sst s3;
	s5 =	sadd.s32 $0x38800, s6;
	s13 =	smul.u32 $0x280, s0  }
0x8: {  	s16 =	sadd.s32 $0x39200, s6;
	s14 =	smul.u32 $0x55000, s0;
	s4 =	sor.u32 s9, s4  }
0x9: {  	_ =	strace $0x80000047;
	s11 =	ssub.s32 $0x2, s9;
	s17 =	smul.u32 $0x2800, s9  }
0xa: {  	p0 =	seq.s32 s9, $0x0;
	s8 =	smul.u32 $0x670, s4;
	s4 =	sadd.s32 $0xE000, s6  }
0xb: {  	s12 =	sshrl.u32 s11, $0x1;
	s15 =	sadd.s32 $0x80, s13;
	s25 =	sshrl.u32 s14, $0x2  }
0xc: {  	s18 =	sadd.s32 $0x22000, s14;
	s29 =	sadd.s32 $0x33000, s14;
	s14 =	sadd.s32 $0x44000, s14  }
0xd: {  	s11 =	ssub.s32 s11, s12;
	s24 =	smul.u32 $0x220, s15;
	s9 =	sadd.s32 s25, s2  }
0xe: {  	s28 =	sshrl.u32 s18, $0x2;
	s13 =	sadd.s32 s17, s13;
	s30 =	sadd.s32 s17, s15  }
0xf: {  	s31 =	sshrl.u32 s29, $0x2;
	s14 =	sshrl.u32 s14, $0x2;
	s10 =	sadd.s32 s8, s6  }
0x10: {  	s6 =	sadd.s32 s7, s8;
	s8 =	simm.s32 $0x67;
	s19 =	smul.u32 $0x11, s13  }
0x11: {  	s12 =	sadd.s32 s28, s2;
	s17 =	smul.u32 $0x11, s30;
	s13 =	sadd.s32 s31, s2  }
0x12: {  	s14 =	sadd.s32 s14, s2;
	s7 =	sadd.s32 $0x1200, s10;
	s8 =	simm.s32 @!p0 $0x37  }
0x13: {  	s26 =	sshrl.u32 s24, $0x2;
	s10 =	smax.u32 s11, $0x1;
	s24 =	simm.s32 $0x0  }
0x14: {  	s11 =	sadd.s32 s26, s2;
	s15 =	sadd.s32 s16, s19;
	s16 =	sadd.s32 s16, s17  }
0x15: {  	s17 =	sadd.s32 $0x1100, s15;
	s18 =	sadd.s32 $0x1980, s15;
	s19 =	sadd.s32 $0x2200, s15  }
.LBB2_1:
0x16: {  	[tilespmem:s3], [sflag:$0x2] =	stream.linear.gather [hbm4b:s6+s3], $0x3380, $0x38;
	[tilespmem:$0x1FF00] =	vst v63  }
0x17: {  	_ =	swait.ge [sflag:s20], $0x3380  }
0x18: {  	[sflag:s20] =	ssyncset.done $0x0  }
0x19: {  	s25 =	simm.s32 $0x3380;
	[sflag:s20] =	ssyncadd.s32 $0xFFFFCC80  }
0x1a: {  	[tilespmem:s25], [sflag:$0x2] =	stream.linear.gather [hbm4b:s7+s3], $0x3380, $0x38;
	[tilespmem:$0x1FF00] =	vst v63  }
0x1b: {  	_ =	swait.ge [sflag:s20], $0x3380  }
0x1c: {  	[sflag:s20] =	ssyncset.done $0x0  }
0x1d: {  	[sflag:s20] =	ssyncadd.s32 $0xFFFFCC80  }
0x1e: {  	[tilespmem:s21], [sflag:$0x2] =	stream.linear.gather [hbm4b:s5+s3], $0x4400, $0x38;
	[tilespmem:$0x1FF00] =	vst v63  }
0x1f: {  	_ =	swait.ge [sflag:s20], $0x4400  }
0x20: {  	[sflag:s20] =	ssyncset.done $0x0  }
0x21: {  	[sflag:s20] =	ssyncadd.s32 $0xFFFFBC00  }
0x22: {  	[spmem:s9] =	stream.linear.scatter [tilespmem:s21], [sflag:$0x2], $0x4400, $0x38;
	[tilespmem:$0x1FF00] =	vst v63  }
0x23: {  	_ =	swait.ge [sflag:s20], $0x4400  }
0x24: {  	[sflag:s20] =	ssyncset.done $0x0  }
0x25: {  	[sflag:s20] =	ssyncadd.s32 $0xFFFFBC00  }
0x26: {  	[spmem:s11] =	stream.linear.scatter [tilespmem:s21], [sflag:$0x2], $0x4400, $0x38;
	[tilespmem:$0x1FF00] =	vst v63  }
0x27: {  	_ =	swait.ge [sflag:s20], $0x4400  }
0x28: {  	[sflag:s20] =	ssyncset.done $0x0  }
0x29: {  	[sflag:s20] =	ssyncadd.s32 $0xFFFFBC00  }
0x2a: {  	[spmem:s12] =	stream.linear.scatter [tilespmem:s21], [sflag:$0x2], $0x4400, $0x38;
	[tilespmem:$0x1FF00] =	vst v63  }
0x2b: {  	_ =	swait.ge [sflag:s20], $0x4400  }
0x2c: {  	[sflag:s20] =	ssyncset.done $0x0  }
0x2d: {  	[sflag:s20] =	ssyncadd.s32 $0xFFFFBC00  }
0x2e: {  	[spmem:s13] =	stream.linear.scatter [tilespmem:s21], [sflag:$0x2], $0x4400, $0x38;
	[tilespmem:$0x1FF00] =	vst v63  }
0x2f: {  	_ =	swait.ge [sflag:s20], $0x4400  }
0x30: {  	[sflag:s20] =	ssyncset.done $0x0  }
0x31: {  	[sflag:s20] =	ssyncadd.s32 $0xFFFFBC00  }
0x32: {  	[spmem:s14] =	stream.linear.scatter [tilespmem:s21], [sflag:$0x2], $0x4400, $0x38;
	[tilespmem:$0x1FF00] =	vst v63  }
0x33: {  	_ =	swait.ge [sflag:s20], $0x4400  }
0x34: {  	[sflag:s20] =	ssyncset.done $0x0  }
0x35: {  	[sflag:s20] =	ssyncadd.s32 $0xFFFFBC00  }
0x36: {  	[bflag:$0x0] =	sbarrier.arrive $0xFFFF  }
0x37: {  	[tilespmem:s21], [sflag:$0x1] =	stream.indirect.gather [hbm4b:s4+s22], $0x88, s3, s22, $0xb8;
	[tilespmem:$0x1FF00] =	vst v63  }
0x38: {  	p0 =	sne.s32 s8, $0x1;
	_ =	swait.ge [sflag:s23], $0x4400  }
.Ltmp0:
0x39: {  	[sflag:s23] =	ssyncset.done $0x0;
	(pc) =	sbr.rel @!p0 .LBB2_3-.Ltmp0, $4  }
0x3a: {  	[sflag:s23] =	ssyncadd.s32 $0xFFFFBC00  }
0x3b: {  	[spmem:s2] =	stream.indirect.scatter.add.f32 [tilespmem:s21], [sflag:$0x2], $0x88, s25, s22, $0xb8;
	[tilespmem:$0x1FF00] =	vst v63  }
0x3c: {  	_ =	swait.ge [sflag:s20], $0x4400  }
0x3d: {  	s26 =	sadd.s32 $0xFFFFFFFF, s8;
	s28 =	simm.s32 $0x0;
	[sflag:s20] =	ssyncset.done $0x0  }
.LBB2_2:
0x3e: {  	[sflag:s20] =	ssyncadd.s32 $0xFFFFBC00;
	s28 =	sadd.s32 $0x80, s28;
	s25 =	sadd.s32 $0x80, s25  }
0x3f: {  	[tilespmem:s21], [sflag:$0x1] =	stream.indirect.gather [hbm4b:s4+s22], $0x88, s28, s22, $0xb8;
	[tilespmem:$0x1FF00] =	vst v63  }
0x40: {  	p0 =	sne.s32 s26, $0x1;
	s26 =	sadd.s32 $0xFFFFFFFF, s26;
	_ =	swait.ge [sflag:s23], $0x4400  }
.Ltmp1:
0x41: {  	[sflag:s23] =	ssyncset.done $0x0;
	(pc) =	sbr.rel @p0 .LBB2_2-.Ltmp1, $4  }
0x42: {  	[sflag:s23] =	ssyncadd.s32 $0xFFFFBC00  }
0x43: {  	[spmem:s2] =	stream.indirect.scatter.add.f32 [tilespmem:s21], [sflag:$0x2], $0x88, s25, s22, $0xb8;
	[tilespmem:$0x1FF00] =	vst v63  }
0x44: {  	_ =	swait.ge [sflag:s20], $0x4400  }
0x45: {  	[sflag:s20] =	ssyncset.done $0x0  }
.LBB2_3:
0x46: {  	[sflag:s20] =	ssyncadd.s32 $0xFFFFBC00  }
0x47: {  	[bflag:$0x0] =	sbarrier.arrive $0xFFFF  }
0x48: {  	[tilespmem:s21], [sflag:$0x2] =	stream.linear.gather [spmem:s9], $0x4400, $0x38;
	[tilespmem:$0x1FF00] =	vst v63  }
0x49: {  	_ =	swait.ge [sflag:s20], $0x4400  }
0x4a: {  	[sflag:s20] =	ssyncset.done $0x0  }
0x4b: {  	[sflag:s20] =	ssyncadd.s32 $0xFFFFBC00  }
0x4c: {  	[hbm4b:s15+s3] =	stream.linear.scatter [tilespmem:s21], [sflag:$0x2], $0x4400, $0x38;
	[tilespmem:$0x1FF00] =	vst v63  }
0x4d: {  	_ =	swait.ge [sflag:s20], $0x4400  }
0x4e: {  	[sflag:s20] =	ssyncset.done $0x0  }
0x4f: {  	[sflag:s20] =	ssyncadd.s32 $0xFFFFBC00  }
0x50: {  	[tilespmem:s21], [sflag:$0x2] =	stream.linear.gather [spmem:s11], $0x4400, $0x38;
	[tilespmem:$0x1FF00] =	vst v63  }
0x51: {  	_ =	swait.ge [sflag:s20], $0x4400  }
0x52: {  	[sflag:s20] =	ssyncset.done $0x0  }
0x53: {  	[sflag:s20] =	ssyncadd.s32 $0xFFFFBC00  }
0x54: {  	[hbm4b:s16+s3] =	stream.linear.scatter [tilespmem:s21], [sflag:$0x2], $0x4400, $0x38;
	[tilespmem:$0x1FF00] =	vst v63  }
0x55: {  	_ =	swait.ge [sflag:s20], $0x4400  }
0x56: {  	[sflag:s20] =	ssyncset.done $0x0  }
0x57: {  	[sflag:s20] =	ssyncadd.s32 $0xFFFFBC00  }
0x58: {  	[tilespmem:s21], [sflag:$0x2] =	stream.linear.gather [spmem:s12], $0x4400, $0x38;
	[tilespmem:$0x1FF00] =	vst v63  }
0x59: {  	_ =	swait.ge [sflag:s20], $0x4400  }
0x5a: {  	[sflag:s20] =	ssyncset.done $0x0  }
0x5b: {  	[sflag:s20] =	ssyncadd.s32 $0xFFFFBC00  }
0x5c: {  	[hbm4b:s17+s3] =	stream.linear.scatter [tilespmem:s21], [sflag:$0x2], $0x4400, $0x38;
	[tilespmem:$0x1FF00] =	vst v63  }
0x5d: {  	_ =	swait.ge [sflag:s20], $0x4400  }
0x5e: {  	[sflag:s20] =	ssyncset.done $0x0  }
0x5f: {  	[sflag:s20] =	ssyncadd.s32 $0xFFFFBC00  }
0x60: {  	[tilespmem:s21], [sflag:$0x2] =	stream.linear.gather [spmem:s13], $0x4400, $0x38;
	[tilespmem:$0x1FF00] =	vst v63  }
0x61: {  	_ =	swait.ge [sflag:s20], $0x4400  }
0x62: {  	[sflag:s20] =	ssyncset.done $0x0  }
0x63: {  	[sflag:s20] =	ssyncadd.s32 $0xFFFFBC00  }
0x64: {  	[hbm4b:s18+s3] =	stream.linear.scatter [tilespmem:s21], [sflag:$0x2], $0x4400, $0x38;
	[tilespmem:$0x1FF00] =	vst v63  }
0x65: {  	_ =	swait.ge [sflag:s20], $0x4400  }
0x66: {  	[sflag:s20] =	ssyncset.done $0x0  }
0x67: {  	[sflag:s20] =	ssyncadd.s32 $0xFFFFBC00  }
0x68: {  	[tilespmem:s21], [sflag:$0x2] =	stream.linear.gather [spmem:s14], $0x4400, $0x38;
	[tilespmem:$0x1FF00] =	vst v63  }
0x69: {  	s24 =	sadd.s32 $0x1, s24;
	_ =	swait.ge [sflag:s20], $0x4400  }
0x6a: {  	p0 =	sne.s32 s24, s10;
	[sflag:s20] =	ssyncset.done $0x0  }
.Ltmp2:
0x6b: {  	[sflag:s20] =	ssyncadd.s32 $0xFFFFBC00;
	(pc) =	sbr.rel @p0 .LBB2_1-.Ltmp2, $4  }
0x6c: {  	[hbm4b:s19+s3] =	stream.linear.scatter [tilespmem:s21], [sflag:$0x2], $0x4400, $0x38;
	[tilespmem:$0x1FF00] =	vst v63  }
0x6d: {  	_ =	swait.ge [sflag:s20], $0x4400  }
0x6e: {  	[sflag:s20] =	ssyncset.done $0x0  }
0x6f: {  	[sflag:s20] =	ssyncadd.s32 $0xFFFFBC00  }
0x70: {  	_ =	sfence.sel $0x180000  }
0x71: {  	[bflag:$0x0] =	sbarrier.arrive $0xFFFF  }
0x72: {  	p0 =	sne.s32 s0, $0x0;
	_ =	strace $0x90000047  }
0x73: {  	s0 =	sadd.s32 @!p0 $0x100000, s1;
	[bflag:$0x2] =	sbarrier.arrive $0xFFFF  }
0x74: {  	[sflag:s0] =	ssyncadd.tile.s32 @!p0 $0x1;
	_ =	shalt  }
.Lfunc_end2:
_tile_overlayer_lowered:
.L_overlay_start_2:
0x75: {  	(tag) =	ssettag $0x2  }
0x76: {  	s0 =	rddreg [dreg:$0x0];
	s2 =	stileid.u32  }
0x77: {  	s1 =	rddreg [dreg:$0x1];
	p0 =	sne.s32 s2, $0x0  }
0x78: {  	s3 =	rddreg [dreg:$0x2];
	[bflag:$0x3] =	sbarrier.arrive $0xFFFF;
	s2 =	simm.s32 @!p0 $0x1C02  }
0x79: {  	[timem:s3], [sflag:s2] =	dma.local @!p0 [hbm:s0], s1  }
0x7a: {  	s0 =	simm.s32 @!p0 $0x2  }
0x7b: {  	_ =	swait.ge @!p0 [sflag:s0], s1  }
0x7c: {  	s1 =	ssub.s32 @!p0 $0x0, s1;
	[sflag:s0] =	ssyncset.done @!p0 $0x0  }
0x7d: {  	[sflag:s0] =	ssyncadd.s32 @!p0 s1  }
0x7e: {  	[bflag:$0x3] =	sbarrier.arrive $0xFFFF  }
0x7f: {  	_ =	shalt  }

</sc_bundles>
